<compile_context>
chip_gen: v7x
topology: tpu7x:2x2x1
jax: 0.10.2.dev20260603
libtpu: 0.0.44.dev20260713+nightly
codegen_flags: <defaults>
</compile_context>

<pallas_src>
import jax
import jax.numpy as jnp
from jax import lax
from jax.experimental import pallas as pl
from jax.experimental.pallas import tpu as pltpu
from jax.experimental.pallas import tpu_sc as plsc

B = 16384
L = 20
M = 16
P = 64
R = 8
PAD = 100000
TBL = PAD + 1

LANE = 128
SUB = 8
CB = -(-TBL // LANE)
CW = CB * LANE
ROWBLK = CW * SUB

NC = 2
NS = 16
NW = NC * NS
RW = B // NW
NE = RW * L
CHUNK = 128
QPL = RW // CHUNK


def _relayout_body(in_ref, out_ref):
    x = in_ref[...]
    out_ref[...] = x.reshape(SUB, CB, LANE).transpose(1, 0, 2).reshape(ROWBLK)


def _tc_flatten(tbl2):
    nrb = tbl2.shape[0] // SUB
    return pl.pallas_call(
        _relayout_body,
        grid=(nrb,),
        in_specs=[pl.BlockSpec((SUB, CW), lambda i: (i, 0))],
        out_specs=pl.BlockSpec((ROWBLK,), lambda i: (i,)),
        out_shape=jax.ShapeDtypeStruct((nrb * ROWBLK,), jnp.float32),
    )(tbl2)


def _body_a(m_hbm, p_hbm, r_hbm, node_hbm, bg_hbm, meta_hbm,
            pbg_hbm, ip_hbm,
            m_v, p_v, r_v, node_v,
            base_bg, base_meta, base_pers,
            idx_bg, idx_meta, idx_pers, val_bg, val_meta, sem_bg, sem_meta):
    wid = lax.axis_index("s") * NC + lax.axis_index("c")
    base_row = wid * RW
    base_el = wid * NE

    pltpu.sync_copy(m_hbm.at[pl.ds(base_row, RW)], m_v)
    pltpu.sync_copy(p_hbm.at[pl.ds(base_row, RW)], p_v)
    pltpu.sync_copy(r_hbm.at[pl.ds(base_row, RW)], r_v)
    pltpu.sync_copy(node_hbm.at[:, pl.ds(base_row, RW)], node_v)

    def bases(c, carry):
        sl = pl.ds(c * 16, 16)
        t = r_v[sl] * LANE
        base_bg[sl] = t
        base_meta[sl] = m_v[sl] * ROWBLK + t
        base_pers[sl] = p_v[sl] * ROWBLK + t
        return carry

    lax.fori_loop(0, RW // 16, bases, 0)

    def build_l(ll, carry):
        def build_q(cq, c2):
            j = ll * QPL + cq
            for cc in range(CHUNK // 16):
                b0 = cq * CHUNK + cc * 16
                sl16 = pl.ds(b0, 16)
                slv = pl.ds(j * CHUNK + cc * 16, 16)
                nd = node_v[ll, sl16]
                off = nd + (nd >> 7) * (SUB * LANE - LANE)
                idx_bg[slv] = base_bg[sl16] + off
                idx_meta[slv] = base_meta[sl16] + off
                idx_pers[slv] = base_pers[sl16] + off
            return c2
        lax.fori_loop(0, QPL, build_q, 0)
        return carry

    lax.fori_loop(0, L, build_l, 0)

    cb_ = pltpu.async_copy(bg_hbm.at[idx_bg], val_bg, sem_bg)
    cm_ = pltpu.async_copy(meta_hbm.at[idx_meta], val_meta, sem_meta)
    pltpu.sync_copy(idx_pers, ip_hbm.at[pl.ds(base_el, NE)])
    cb_.wait()
    cm_.wait()

    def psum(j, carry):
        for cc in range(CHUNK // 16):
            slv = pl.ds(j * CHUNK + cc * 16, 16)
            val_bg[slv] = val_bg[slv] + val_meta[slv]
        return carry

    lax.fori_loop(0, NE // CHUNK, psum, 0)
    pltpu.sync_copy(val_bg, pbg_hbm.at[pl.ds(base_el, NE)])


def _body_b(node_hbm, signs_hbm, pers_hbm, pbg_hbm, ip_hbm,
            out_hbm,
            node_v, signs_v, pbg_v,
            idx_pers, val_pers, lp_v,
            out_v, sem_pers):
    wid = lax.axis_index("s") * NC + lax.axis_index("c")
    base_row = wid * RW
    base_el = wid * NE

    pltpu.sync_copy(ip_hbm.at[pl.ds(base_el, NE)], idx_pers)
    cp = pltpu.async_copy(pers_hbm.at[idx_pers], val_pers, sem_pers)
    pltpu.sync_copy(node_hbm.at[:, pl.ds(base_row, RW)], node_v)
    pltpu.sync_copy(signs_hbm.at[:, pl.ds(base_row, RW)], signs_v)
    pltpu.sync_copy(pbg_hbm.at[pl.ds(base_el, NE)], pbg_v)
    cp.wait()

    def logsig_l(ll, carry):
        def logsig_q(cq, c2):
            j = ll * QPL + cq
            for cc in range(CHUNK // 16):
                b0 = cq * CHUNK + cc * 16
                sl16 = pl.ds(b0, 16)
                slv = pl.ds(j * CHUNK + cc * 16, 16)
                logits = pbg_v[slv] + val_pers[slv]
                x = signs_v[ll, sl16] * logits
                u = jnp.exp(-jnp.abs(x))
                s = u / (2.0 + u)
                s2 = s * s
                l1p = 2.0 * s * (1.0 + s2 * (1.0 / 3.0 + s2 * (0.2 + s2 * (1.0 / 7.0 + s2 * (1.0 / 9.0)))))
                lp = jnp.minimum(x, 0.0) - l1p
                nd = node_v[ll, sl16]
                lp_v[slv] = jnp.where(nd == PAD, 0.0, lp)
            return c2
        lax.fori_loop(0, QPL, logsig_q, 0)
        return carry

    lax.fori_loop(0, L, logsig_l, 0)

    def rowsum(c, carry):
        acc = lp_v[pl.ds(c * 16, 16)]
        for ll in range(1, L):
            acc = acc + lp_v[pl.ds(ll * RW + c * 16, 16)]
        out_v[pl.ds(c * 16, 16)] = acc
        return carry

    lax.fori_loop(0, RW // 16, rowsum, 0)

    pltpu.sync_copy(out_v, out_hbm.at[pl.ds(base_row, RW)])


def _mesh():
    return plsc.VectorSubcoreMesh(
        core_axis_name="c", subcore_axis_name="s",
        num_cores=NC, num_subcores=NS)


@jax.jit
def _sage_sc(m, p, r, node, signs, bg, meta, pers):
    fa = pl.kernel(
        _body_a,
        out_type=(jax.ShapeDtypeStruct((B * L,), jnp.float32),
                  jax.ShapeDtypeStruct((B * L,), jnp.int32)),
        mesh=_mesh(),
        compiler_params=pltpu.CompilerParams(needs_layout_passes=False),
        scratch_types=[
            pltpu.VMEM((RW,), jnp.int32),
            pltpu.VMEM((RW,), jnp.int32),
            pltpu.VMEM((RW,), jnp.int32),
            pltpu.VMEM((L, RW), jnp.int32),
            pltpu.VMEM((RW,), jnp.int32),
            pltpu.VMEM((RW,), jnp.int32),
            pltpu.VMEM((RW,), jnp.int32),
            pltpu.VMEM((NE,), jnp.int32),
            pltpu.VMEM((NE,), jnp.int32),
            pltpu.VMEM((NE,), jnp.int32),
            pltpu.VMEM((NE,), jnp.float32),
            pltpu.VMEM((NE,), jnp.float32),
            pltpu.SemaphoreType.DMA,
            pltpu.SemaphoreType.DMA,
        ],
    )
    pbg, ip = fa(m, p, r, node, bg, meta)
    fb = pl.kernel(
        _body_b,
        out_type=jax.ShapeDtypeStruct((B,), jnp.float32),
        mesh=_mesh(),
        compiler_params=pltpu.CompilerParams(needs_layout_passes=False),
        scratch_types=[
            pltpu.VMEM((L, RW), jnp.int32),
            pltpu.VMEM((L, RW), jnp.float32),
            pltpu.VMEM((NE,), jnp.float32),
            pltpu.VMEM((NE,), jnp.int32),
            pltpu.VMEM((NE,), jnp.float32),
            pltpu.VMEM((NE,), jnp.float32),
            pltpu.VMEM((RW,), jnp.float32),
            pltpu.SemaphoreType.DMA,
        ],
    )
    return fb(node, signs, pers, pbg, ip)


def kernel(m_idx, p_idx, r_idx, node_paths, node_signs,
           eta_bg, eta_meta, eta_pers):
    m = m_idx.astype(jnp.int32)
    p = p_idx.astype(jnp.int32)
    r = r_idx.astype(jnp.int32)
    node = node_paths.astype(jnp.int32).T
    signs = node_signs.T
    bg = _tc_flatten(eta_bg)
    meta = _tc_flatten(eta_meta.reshape(M * R, TBL))
    pers = _tc_flatten(eta_pers.reshape(P * R, TBL))
    return _sage_sc(m, p, r, node, signs, bg, meta, pers)

# --- scband reference (transcript-rebuilt; emitter-appended) ---
"""Pipeline reference for scband-hierarchical-sage-18193481466392 (READ-ONLY COPY).

The authoritative reference and input builder live on the scoring server;
editing this copy changes nothing except your own understanding.
"""

import jax, jax.numpy as jnp
import numpy as np

B = 16384
L = 20
M = 16
P = 64
R = 8
N_INTERNAL = 100000
PAD = N_INTERNAL


def setup_inputs(seed: int = 0) -> dict:
    key = jax.random.key(seed)
    ks = jax.random.split(key, 8)
    m_idx = jax.random.randint(ks[0], (B,), 0, M, dtype=jnp.int64 if jax.config.jax_enable_x64 else jnp.int32)
    p_idx = jax.random.randint(ks[1], (B,), 0, P, dtype=m_idx.dtype)
    r_idx = jax.random.randint(ks[2], (B,), 0, R, dtype=m_idx.dtype)
    node_paths = jax.random.randint(ks[3], (B, L), 0, N_INTERNAL + 1, dtype=m_idx.dtype)
    node_signs = jax.random.normal(ks[4], (B, L), dtype=jnp.float32)
    # learned parameters (nn.Parameter, init zeros in torch; small random here for nontrivial math)
    eta_bg = jax.random.normal(ks[5], (R, PAD + 1), dtype=jnp.float32) * 0.01
    eta_meta = jax.random.normal(ks[6], (M, R, PAD + 1), dtype=jnp.float32) * 0.01
    eta_pers = jax.random.normal(ks[7], (P, R, PAD + 1), dtype=jnp.float32) * 0.01
    return {
        "m_idx": m_idx,
        "p_idx": p_idx,
        "r_idx": r_idx,
        "node_paths": node_paths,
        "node_signs": node_signs,
        "eta_bg": eta_bg,
        "eta_meta": eta_meta,
        "eta_pers": eta_pers,
    }


def reference(m_idx, p_idx, r_idx, node_paths, node_signs, eta_bg, eta_meta, eta_pers):
    # expand per-example indices across the path dimension
    m_idx_exp = m_idx[:, None]  # broadcasts against node_paths [B, L]
    p_idx_exp = p_idx[:, None]
    r_idx_exp = r_idx[:, None]
    # gathers (embedding lookups) -> [B, L]
    bg = eta_bg[r_idx_exp, node_paths]
    meta = eta_meta[m_idx_exp, r_idx_exp, node_paths]
    pers = eta_pers[p_idx_exp, r_idx_exp, node_paths]
    logits = bg + meta + pers
    path_mask = (node_paths != PAD).astype(jnp.float32)
    log_probs = jax.nn.log_sigmoid(node_signs * logits) * path_mask
    word_log_probs = log_probs.sum(axis=1)
    return word_log_probs

if __name__ == "__main__":
    import jax
    _d = setup_inputs()
    print(jax.jit(kernel)(*tuple(_d.values())))

</pallas_src>

<mosaic_0001>
#map = affine_map<(d0, d1) -> (0)>
#map1 = affine_map<(d0, d1) -> (0, 0)>
module attributes {stable_mosaic.version = 14 : i64} {
  func.func @_body_a(%arg0: i32, %arg1: i32, %arg2: memref<16384xi32, #tpu.memory_space<hbm>>, %arg3: memref<16384xi32, #tpu.memory_space<hbm>>, %arg4: memref<16384xi32, #tpu.memory_space<hbm>>, %arg5: memref<20x16384xi32, #tpu.memory_space<hbm>>, %arg6: memref<800768xf32, #tpu.memory_space<hbm>>, %arg7: memref<12812288xf32, #tpu.memory_space<hbm>>, %arg8: memref<327680xf32, #tpu.memory_space<hbm>>, %arg9: memref<327680xi32, #tpu.memory_space<hbm>>, %arg10: memref<512xi32, #tpu.memory_space<vmem>>, %arg11: memref<512xi32, #tpu.memory_space<vmem>>, %arg12: memref<512xi32, #tpu.memory_space<vmem>>, %arg13: memref<20x512xi32, #tpu.memory_space<vmem>>, %arg14: memref<512xi32, #tpu.memory_space<vmem>>, %arg15: memref<512xi32, #tpu.memory_space<vmem>>, %arg16: memref<512xi32, #tpu.memory_space<vmem>>, %arg17: memref<10240xi32, #tpu.memory_space<vmem>>, %arg18: memref<10240xi32, #tpu.memory_space<vmem>>, %arg19: memref<10240xi32, #tpu.memory_space<vmem>>, %arg20: memref<10240xf32, #tpu.memory_space<vmem>>, %arg21: memref<10240xf32, #tpu.memory_space<vmem>>, %arg22: memref<!tpu.dma_semaphore, #tpu.memory_space<semaphore_mem>>, %arg23: memref<!tpu.dma_semaphore, #tpu.memory_space<semaphore_mem>>) attributes {dimension_semantics = [#tpu.dimension_semantics<core_parallel>, #tpu.dimension_semantics<subcore_parallel>], iteration_bounds = array<i64: 2, 16>, scalar_prefetch = 0 : i64, scratch_operands = 14 : i64, tpu.core_type = #tpu.core_type<sc_vector_subcore>, window_params = [{transform_indices = #map}, {transform_indices = #map}, {transform_indices = #map}, {transform_indices = #map1}, {transform_indices = #map}, {transform_indices = #map}, {transform_indices = #map}, {transform_indices = #map}]} {
    %mul3A = arith.constant 2 : i32
    %mul3A_0 = arith.muli %arg1, %mul3A : i32
    %add3A = arith.addi %mul3A_0, %arg0 : i32
    %mul3A_1 = arith.constant 512 : i32
    %mul3A_2 = arith.muli %add3A, %mul3A_1 : i32
    %mul3A_3 = arith.constant 10240 : i32
    %mul3A_4 = arith.muli %add3A, %mul3A_3 : i32
    "tpu.region"() ({
      %run_scoped3A = tpu.sem_alloc : memref<!tpu.dma_semaphore, #tpu.memory_space<semaphore_mem>>
      %dma_start3A_28 = tpu.memref_slice %arg2[%mul3A_2] : memref<16384xi32, #tpu.memory_space<hbm>> -> memref<512xi32, #tpu.memory_space<hbm>>
      %dma_start3A_29 = tpu.memref_slice %arg2[%mul3A_2] : memref<16384xi32, #tpu.memory_space<hbm>> -> memref<512xi32, #tpu.memory_space<hbm>>
      tpu.enqueue_dma source(%dma_start3A_29 : memref<512xi32, #tpu.memory_space<hbm>>) target(%arg10 : memref<512xi32, #tpu.memory_space<vmem>>) target_semaphore(%run_scoped3A : memref<!tpu.dma_semaphore, #tpu.memory_space<semaphore_mem>>)
      %dma_wait3A_30 = tpu.memref_slice %arg2[%mul3A_2] : memref<16384xi32, #tpu.memory_space<hbm>> -> memref<512xi32, #tpu.memory_space<hbm>>
      %dma_wait3A_31 = tpu.memref_slice %arg2[%mul3A_2] : memref<16384xi32, #tpu.memory_space<hbm>> -> memref<512xi32, #tpu.memory_space<hbm>>
      tpu.wait_dma2 semaphore(%run_scoped3A : memref<!tpu.dma_semaphore, #tpu.memory_space<semaphore_mem>>) src(%dma_wait3A_31 : memref<512xi32, #tpu.memory_space<hbm>>) dst(%arg10 : memref<512xi32, #tpu.memory_space<vmem>>)
      tpu.yield
    }) : () -> ()
    "tpu.region"() ({
      %run_scoped3A = tpu.sem_alloc : memref<!tpu.dma_semaphore, #tpu.memory_space<semaphore_mem>>
      %dma_start3A_28 = tpu.memref_slice %arg3[%mul3A_2] : memref<16384xi32, #tpu.memory_space<hbm>> -> memref<512xi32, #tpu.memory_space<hbm>>
      %dma_start3A_29 = tpu.memref_slice %arg3[%mul3A_2] : memref<16384xi32, #tpu.memory_space<hbm>> -> memref<512xi32, #tpu.memory_space<hbm>>
      tpu.enqueue_dma source(%dma_start3A_29 : memref<512xi32, #tpu.memory_space<hbm>>) target(%arg11 : memref<512xi32, #tpu.memory_space<vmem>>) target_semaphore(%run_scoped3A : memref<!tpu.dma_semaphore, #tpu.memory_space<semaphore_mem>>)
      %dma_wait3A_30 = tpu.memref_slice %arg3[%mul3A_2] : memref<16384xi32, #tpu.memory_space<hbm>> -> memref<512xi32, #tpu.memory_space<hbm>>
      %dma_wait3A_31 = tpu.memref_slice %arg3[%mul3A_2] : memref<16384xi32, #tpu.memory_space<hbm>> -> memref<512xi32, #tpu.memory_space<hbm>>
      tpu.wait_dma2 semaphore(%run_scoped3A : memref<!tpu.dma_semaphore, #tpu.memory_space<semaphore_mem>>) src(%dma_wait3A_31 : memref<512xi32, #tpu.memory_space<hbm>>) dst(%arg11 : memref<512xi32, #tpu.memory_space<vmem>>)
      tpu.yield
    }) : () -> ()
    "tpu.region"() ({
      %run_scoped3A = tpu.sem_alloc : memref<!tpu.dma_semaphore, #tpu.memory_space<semaphore_mem>>
      %dma_start3A_28 = tpu.memref_slice %arg4[%mul3A_2] : memref<16384xi32, #tpu.memory_space<hbm>> -> memref<512xi32, #tpu.memory_space<hbm>>
      %dma_start3A_29 = tpu.memref_slice %arg4[%mul3A_2] : memref<16384xi32, #tpu.memory_space<hbm>> -> memref<512xi32, #tpu.memory_space<hbm>>
      tpu.enqueue_dma source(%dma_start3A_29 : memref<512xi32, #tpu.memory_space<hbm>>) target(%arg12 : memref<512xi32, #tpu.memory_space<vmem>>) target_semaphore(%run_scoped3A : memref<!tpu.dma_semaphore, #tpu.memory_space<semaphore_mem>>)
      %dma_wait3A_30 = tpu.memref_slice %arg4[%mul3A_2] : memref<16384xi32, #tpu.memory_space<hbm>> -> memref<512xi32, #tpu.memory_space<hbm>>
      %dma_wait3A_31 = tpu.memref_slice %arg4[%mul3A_2] : memref<16384xi32, #tpu.memory_space<hbm>> -> memref<512xi32, #tpu.memory_space<hbm>>
      tpu.wait_dma2 semaphore(%run_scoped3A : memref<!tpu.dma_semaphore, #tpu.memory_space<semaphore_mem>>) src(%dma_wait3A_31 : memref<512xi32, #tpu.memory_space<hbm>>) dst(%arg12 : memref<512xi32, #tpu.memory_space<vmem>>)
      tpu.yield
    }) : () -> ()
    "tpu.region"() ({
      %run_scoped3A = tpu.sem_alloc : memref<!tpu.dma_semaphore, #tpu.memory_space<semaphore_mem>>
      %dma_start3A_28 = arith.constant 0 : i32
      %dma_start3A_29 = tpu.memref_slice %arg5[%dma_start3A_28, %mul3A_2] : memref<20x16384xi32, #tpu.memory_space<hbm>> -> memref<20x512xi32, #tpu.memory_space<hbm>>
      %dma_start3A_30 = arith.constant 0 : i32
      %dma_start3A_31 = tpu.memref_slice %arg5[%dma_start3A_30, %mul3A_2] : memref<20x16384xi32, #tpu.memory_space<hbm>> -> memref<20x512xi32, #tpu.memory_space<hbm>>
      tpu.enqueue_dma source(%dma_start3A_31 : memref<20x512xi32, #tpu.memory_space<hbm>>) target(%arg13 : memref<20x512xi32, #tpu.memory_space<vmem>>) target_semaphore(%run_scoped3A : memref<!tpu.dma_semaphore, #tpu.memory_space<semaphore_mem>>)
      %dma_wait3A_32 = arith.constant 0 : i32
      %dma_wait3A_33 = tpu.memref_slice %arg5[%dma_wait3A_32, %mul3A_2] : memref<20x16384xi32, #tpu.memory_space<hbm>> -> memref<20x512xi32, #tpu.memory_space<hbm>>
      %dma_wait3A_34 = arith.constant 0 : i32
      %dma_wait3A_35 = tpu.memref_slice %arg5[%dma_wait3A_34, %mul3A_2] : memref<20x16384xi32, #tpu.memory_space<hbm>> -> memref<20x512xi32, #tpu.memory_space<hbm>>
      tpu.wait_dma2 semaphore(%run_scoped3A : memref<!tpu.dma_semaphore, #tpu.memory_space<semaphore_mem>>) src(%dma_wait3A_35 : memref<20x512xi32, #tpu.memory_space<hbm>>) dst(%arg13 : memref<20x512xi32, #tpu.memory_space<vmem>>)
      tpu.yield
    }) : () -> ()
    %scan3A = arith.constant 0 : i32
    %scan3A_5 = arith.constant 0 : i32
    %scan3A_6 = arith.constant 32 : i32
    %scan3A_7 = arith.addi %scan3A_5, %scan3A_6 : i32
    %scan3A_8 = arith.constant 1 : i32
    scf.for %scan3A_28 = %scan3A_5 to %scan3A_7 step %scan3A_8  : i32 {
      %mul3A_29 = arith.constant 16 : i32
      %mul3A_30 = arith.muli %scan3A_28, %mul3A_29 : i32
      %get3A = arith.index_cast %mul3A_30 : i32 to index
      %get3A_31 = tpu.vector_load %arg12[%get3A] {strides = array<i32>} : memref<512xi32, #tpu.memory_space<vmem>>, vector<16xi32>,
      %mul3A_32 = arith.constant 128 : i32
      %mul3A_33 = vector.broadcast %mul3A_32 : i32 to vector<16xi32>
      %mul3A_34 = arith.muli %get3A_31, %mul3A_33 : vector<16xi32>
      %swap3A = arith.index_cast %mul3A_30 : i32 to index
      %swap3A_35 = tpu.vector_load %arg14[%swap3A] {strides = array<i32>} : memref<512xi32, #tpu.memory_space<vmem>>, vector<16xi32>,
      tpu.vector_store %arg14[%swap3A], %mul3A_34 {strides = array<i32>} : memref<512xi32, #tpu.memory_space<vmem>>, vector<16xi32>,
      %get3A_36 = arith.index_cast %mul3A_30 : i32 to index
      %get3A_37 = tpu.vector_load %arg10[%get3A_36] {strides = array<i32>} : memref<512xi32, #tpu.memory_space<vmem>>, vector<16xi32>,
      %mul3A_38 = arith.constant 800768 : i32
      %mul3A_39 = vector.broadcast %mul3A_38 : i32 to vector<16xi32>
      %mul3A_40 = arith.muli %get3A_37, %mul3A_39 : vector<16xi32>
      %add3A_41 = arith.addi %mul3A_40, %mul3A_34 : vector<16xi32>
      %swap3A_42 = arith.index_cast %mul3A_30 : i32 to index
      %swap3A_43 = tpu.vector_load %arg15[%swap3A_42] {strides = array<i32>} : memref<512xi32, #tpu.memory_space<vmem>>, vector<16xi32>,
      tpu.vector_store %arg15[%swap3A_42], %add3A_41 {strides = array<i32>} : memref<512xi32, #tpu.memory_space<vmem>>, vector<16xi32>,
      %get3A_44 = arith.index_cast %mul3A_30 : i32 to index
      %get3A_45 = tpu.vector_load %arg11[%get3A_44] {strides = array<i32>} : memref<512xi32, #tpu.memory_space<vmem>>, vector<16xi32>,
      %mul3A_46 = arith.constant 800768 : i32
      %mul3A_47 = vector.broadcast %mul3A_46 : i32 to vector<16xi32>
      %mul3A_48 = arith.muli %get3A_45, %mul3A_47 : vector<16xi32>
      %add3A_49 = arith.addi %mul3A_48, %mul3A_34 : vector<16xi32>
      %swap3A_50 = arith.index_cast %mul3A_30 : i32 to index
      %swap3A_51 = tpu.vector_load %arg16[%swap3A_50] {strides = array<i32>} : memref<512xi32, #tpu.memory_space<vmem>>, vector<16xi32>,
      tpu.vector_store %arg16[%swap3A_50], %add3A_49 {strides = array<i32>} : memref<512xi32, #tpu.memory_space<vmem>>, vector<16xi32>,
    }
    %scan3A_9 = arith.constant 32 : i32
    %scan3A_10 = arith.constant 0 : i32
    %scan3A_11 = arith.constant 0 : i32
    %scan3A_12 = arith.constant 20 : i32
    %scan3A_13 = arith.addi %scan3A_11, %scan3A_12 : i32
    %scan3A_14 = arith.constant 1 : i32
    scf.for %scan3A_28 = %scan3A_11 to %scan3A_13 step %scan3A_14  : i32 {
      %scan3A_29 = arith.constant 0 : i32
      %scan3A_30 = arith.constant 0 : i32
      %scan3A_31 = arith.constant 4 : i32
      %scan3A_32 = arith.addi %scan3A_30, %scan3A_31 : i32
      %scan3A_33 = arith.constant 1 : i32
      scf.for %scan3A_35 = %scan3A_30 to %scan3A_32 step %scan3A_33  : i32 {
        %mul3A_36 = arith.constant 4 : i32
        %mul3A_37 = arith.muli %scan3A_28, %mul3A_36 : i32
        %add3A_38 = arith.addi %mul3A_37, %scan3A_35 : i32
        %mul3A_39 = arith.constant 128 : i32
        %mul3A_40 = arith.muli %scan3A_35, %mul3A_39 : i32
        %add3A_41 = arith.constant 0 : i32
        %add3A_42 = arith.addi %mul3A_40, %add3A_41 : i32
        %mul3A_43 = arith.constant 128 : i32
        %mul3A_44 = arith.muli %add3A_38, %mul3A_43 : i32
        %add3A_45 = arith.constant 0 : i32
        %add3A_46 = arith.addi %mul3A_44, %add3A_45 : i32
        %get3A = arith.index_cast %scan3A_28 : i32 to index
        %get3A_47 = arith.index_cast %add3A_42 : i32 to index
        %get3A_48 = tpu.vector_load %arg13[%get3A, %get3A_47] {strides = array<i32>} : memref<20x512xi32, #tpu.memory_space<vmem>>, vector<16xi32>,
        %shift_right_arithmetic3A = arith.constant 7 : i32
        %shift_right_arithmetic3A_49 = vector.broadcast %shift_right_arithmetic3A : i32 to vector<16xi32>
        %shift_right_arithmetic3A_50 = arith.shrsi %get3A_48, %shift_right_arithmetic3A_49 : vector<16xi32>
        %mul3A_51 = arith.constant 896 : i32
        %mul3A_52 = vector.broadcast %mul3A_51 : i32 to vector<16xi32>
        %mul3A_53 = arith.muli %shift_right_arithmetic3A_50, %mul3A_52 : vector<16xi32>
        %add3A_54 = arith.addi %get3A_48, %mul3A_53 : vector<16xi32>
        %get3A_55 = arith.index_cast %add3A_42 : i32 to index
        %get3A_56 = tpu.vector_load %arg14[%get3A_55] {strides = array<i32>} : memref<512xi32, #tpu.memory_space<vmem>>, vector<16xi32>,
        %add3A_57 = arith.addi %get3A_56, %add3A_54 : vector<16xi32>
        %swap3A = arith.index_cast %add3A_46 : i32 to index
        %swap3A_58 = tpu.vector_load %arg17[%swap3A] {strides = array<i32>} : memref<10240xi32, #tpu.memory_space<vmem>>, vector<16xi32>,
        tpu.vector_store %arg17[%swap3A], %add3A_57 {strides = array<i32>} : memref<10240xi32, #tpu.memory_space<vmem>>, vector<16xi32>,
        %get3A_59 = arith.index_cast %add3A_42 : i32 to index
        %get3A_60 = tpu.vector_load %arg15[%get3A_59] {strides = array<i32>} : memref<512xi32, #tpu.memory_space<vmem>>, vector<16xi32>,
        %add3A_61 = arith.addi %get3A_60, %add3A_54 : vector<16xi32>
        %swap3A_62 = arith.index_cast %add3A_46 : i32 to index
        %swap3A_63 = tpu.vector_load %arg18[%swap3A_62] {strides = array<i32>} : memref<10240xi32, #tpu.memory_space<vmem>>, vector<16xi32>,
        tpu.vector_store %arg18[%swap3A_62], %add3A_61 {strides = array<i32>} : memref<10240xi32, #tpu.memory_space<vmem>>, vector<16xi32>,
        %get3A_64 = arith.index_cast %add3A_42 : i32 to index
        %get3A_65 = tpu.vector_load %arg16[%get3A_64] {strides = array<i32>} : memref<512xi32, #tpu.memory_space<vmem>>, vector<16xi32>,
        %add3A_66 = arith.addi %get3A_65, %add3A_54 : vector<16xi32>
        %swap3A_67 = arith.index_cast %add3A_46 : i32 to index
        %swap3A_68 = tpu.vector_load %arg19[%swap3A_67] {strides = array<i32>} : memref<10240xi32, #tpu.memory_space<vmem>>, vector<16xi32>,
        tpu.vector_store %arg19[%swap3A_67], %add3A_66 {strides = array<i32>} : memref<10240xi32, #tpu.memory_space<vmem>>, vector<16xi32>,
        %mul3A_69 = arith.constant 128 : i32
        %mul3A_70 = arith.muli %scan3A_35, %mul3A_69 : i32
        %add3A_71 = arith.constant 16 : i32
        %add3A_72 = arith.addi %mul3A_70, %add3A_71 : i32
        %mul3A_73 = arith.constant 128 : i32
        %mul3A_74 = arith.muli %add3A_38, %mul3A_73 : i32
        %add3A_75 = arith.constant 16 : i32
        %add3A_76 = arith.addi %mul3A_74, %add3A_75 : i32
        %get3A_77 = arith.index_cast %scan3A_28 : i32 to index
        %get3A_78 = arith.index_cast %add3A_72 : i32 to index
        %get3A_79 = tpu.vector_load %arg13[%get3A_77, %get3A_78] {strides = array<i32>} : memref<20x512xi32, #tpu.memory_space<vmem>>, vector<16xi32>,
        %shift_right_arithmetic3A_80 = arith.constant 7 : i32
        %shift_right_arithmetic3A_81 = vector.broadcast %shift_right_arithmetic3A_80 : i32 to vector<16xi32>
        %shift_right_arithmetic3A_82 = arith.shrsi %get3A_79, %shift_right_arithmetic3A_81 : vector<16xi32>
        %mul3A_83 = arith.constant 896 : i32
        %mul3A_84 = vector.broadcast %mul3A_83 : i32 to vector<16xi32>
        %mul3A_85 = arith.muli %shift_right_arithmetic3A_82, %mul3A_84 : vector<16xi32>
        %add3A_86 = arith.addi %get3A_79, %mul3A_85 : vector<16xi32>
        %get3A_87 = arith.index_cast %add3A_72 : i32 to index
        %get3A_88 = tpu.vector_load %arg14[%get3A_87] {strides = array<i32>} : memref<512xi32, #tpu.memory_space<vmem>>, vector<16xi32>,
        %add3A_89 = arith.addi %get3A_88, %add3A_86 : vector<16xi32>
        %swap3A_90 = arith.index_cast %add3A_76 : i32 to index
        %swap3A_91 = tpu.vector_load %arg17[%swap3A_90] {strides = array<i32>} : memref<10240xi32, #tpu.memory_space<vmem>>, vector<16xi32>,
        tpu.vector_store %arg17[%swap3A_90], %add3A_89 {strides = array<i32>} : memref<10240xi32, #tpu.memory_space<vmem>>, vector<16xi32>,
        %get3A_92 = arith.index_cast %add3A_72 : i32 to index
        %get3A_93 = tpu.vector_load %arg15[%get3A_92] {strides = array<i32>} : memref<512xi32, #tpu.memory_space<vmem>>, vector<16xi32>,
        %add3A_94 = arith.addi %get3A_93, %add3A_86 : vector<16xi32>
        %swap3A_95 = arith.index_cast %add3A_76 : i32 to index
        %swap3A_96 = tpu.vector_load %arg18[%swap3A_95] {strides = array<i32>} : memref<10240xi32, #tpu.memory_space<vmem>>, vector<16xi32>,
        tpu.vector_store %arg18[%swap3A_95], %add3A_94 {strides = array<i32>} : memref<10240xi32, #tpu.memory_space<vmem>>, vector<16xi32>,
        %get3A_97 = arith.index_cast %add3A_72 : i32 to index
        %get3A_98 = tpu.vector_load %arg16[%get3A_97] {strides = array<i32>} : memref<512xi32, #tpu.memory_space<vmem>>, vector<16xi32>,
        %add3A_99 = arith.addi %get3A_98, %add3A_86 : vector<16xi32>
        %swap3A_100 = arith.index_cast %add3A_76 : i32 to index
        %swap3A_101 = tpu.vector_load %arg19[%swap3A_100] {strides = array<i32>} : memref<10240xi32, #tpu.memory_space<vmem>>, vector<16xi32>,
        tpu.vector_store %arg19[%swap3A_100], %add3A_99 {strides = array<i32>} : memref<10240xi32, #tpu.memory_space<vmem>>, vector<16xi32>,
        %mul3A_102 = arith.constant 128 : i32
        %mul3A_103 = arith.muli %scan3A_35, %mul3A_102 : i32
        %add3A_104 = arith.constant 32 : i32
        %add3A_105 = arith.addi %mul3A_103, %add3A_104 : i32
        %mul3A_106 = arith.constant 128 : i32
        %mul3A_107 = arith.muli %add3A_38, %mul3A_106 : i32
        %add3A_108 = arith.constant 32 : i32
        %add3A_109 = arith.addi %mul3A_107, %add3A_108 : i32
        %get3A_110 = arith.index_cast %scan3A_28 : i32 to index
        %get3A_111 = arith.index_cast %add3A_105 : i32 to index
        %get3A_112 = tpu.vector_load %arg13[%get3A_110, %get3A_111] {strides = array<i32>} : memref<20x512xi32, #tpu.memory_space<vmem>>, vector<16xi32>,
        %shift_right_arithmetic3A_113 = arith.constant 7 : i32
        %shift_right_arithmetic3A_114 = vector.broadcast %shift_right_arithmetic3A_113 : i32 to vector<16xi32>
        %shift_right_arithmetic3A_115 = arith.shrsi %get3A_112, %shift_right_arithmetic3A_114 : vector<16xi32>
        %mul3A_116 = arith.constant 896 : i32
        %mul3A_117 = vector.broadcast %mul3A_116 : i32 to vector<16xi32>
        %mul3A_118 = arith.muli %shift_right_arithmetic3A_115, %mul3A_117 : vector<16xi32>
        %add3A_119 = arith.addi %get3A_112, %mul3A_118 : vector<16xi32>
        %get3A_120 = arith.index_cast %add3A_105 : i32 to index
        %get3A_121 = tpu.vector_load %arg14[%get3A_120] {strides = array<i32>} : memref<512xi32, #tpu.memory_space<vmem>>, vector<16xi32>,
        %add3A_122 = arith.addi %get3A_121, %add3A_119 : vector<16xi32>
        %swap3A_123 = arith.index_cast %add3A_109 : i32 to index
        %swap3A_124 = tpu.vector_load %arg17[%swap3A_123] {strides = array<i32>} : memref<10240xi32, #tpu.memory_space<vmem>>, vector<16xi32>,
        tpu.vector_store %arg17[%swap3A_123], %add3A_122 {strides = array<i32>} : memref<10240xi32, #tpu.memory_space<vmem>>, vector<16xi32>,
        %get3A_125 = arith.index_cast %add3A_105 : i32 to index
        %get3A_126 = tpu.vector_load %arg15[%get3A_125] {strides = array<i32>} : memref<512xi32, #tpu.memory_space<vmem>>, vector<16xi32>,
        %add3A_127 = arith.addi %get3A_126, %add3A_119 : vector<16xi32>
        %swap3A_128 = arith.index_cast %add3A_109 : i32 to index
        %swap3A_129 = tpu.vector_load %arg18[%swap3A_128] {strides = array<i32>} : memref<10240xi32, #tpu.memory_space<vmem>>, vector<16xi32>,
        tpu.vector_store %arg18[%swap3A_128], %add3A_127 {strides = array<i32>} : memref<10240xi32, #tpu.memory_space<vmem>>, vector<16xi32>,
        %get3A_130 = arith.index_cast %add3A_105 : i32 to index
        %get3A_131 = tpu.vector_load %arg16[%get3A_130] {strides = array<i32>} : memref<512xi32, #tpu.memory_space<vmem>>, vector<16xi32>,
        %add3A_132 = arith.addi %get3A_131, %add3A_119 : vector<16xi32>
        %swap3A_133 = arith.index_cast %add3A_109 : i32 to index
        %swap3A_134 = tpu.vector_load %arg19[%swap3A_133] {strides = array<i32>} : memref<10240xi32, #tpu.memory_space<vmem>>, vector<16xi32>,
        tpu.vector_store %arg19[%swap3A_133], %add3A_132 {strides = array<i32>} : memref<10240xi32, #tpu.memory_space<vmem>>, vector<16xi32>,
        %mul3A_135 = arith.constant 128 : i32
        %mul3A_136 = arith.muli %scan3A_35, %mul3A_135 : i32
        %add3A_137 = arith.constant 48 : i32
        %add3A_138 = arith.addi %mul3A_136, %add3A_137 : i32
        %mul3A_139 = arith.constant 128 : i32
        %mul3A_140 = arith.muli %add3A_38, %mul3A_139 : i32
        %add3A_141 = arith.constant 48 : i32
        %add3A_142 = arith.addi %mul3A_140, %add3A_141 : i32
        %get3A_143 = arith.index_cast %scan3A_28 : i32 to index
        %get3A_144 = arith.index_cast %add3A_138 : i32 to index
        %get3A_145 = tpu.vector_load %arg13[%get3A_143, %get3A_144] {strides = array<i32>} : memref<20x512xi32, #tpu.memory_space<vmem>>, vector<16xi32>,
        %shift_right_arithmetic3A_146 = arith.constant 7 : i32
        %shift_right_arithmetic3A_147 = vector.broadcast %shift_right_arithmetic3A_146 : i32 to vector<16xi32>
        %shift_right_arithmetic3A_148 = arith.shrsi %get3A_145, %shift_right_arithmetic3A_147 : vector<16xi32>
        %mul3A_149 = arith.constant 896 : i32
        %mul3A_150 = vector.broadcast %mul3A_149 : i32 to vector<16xi32>
        %mul3A_151 = arith.muli %shift_right_arithmetic3A_148, %mul3A_150 : vector<16xi32>
        %add3A_152 = arith.addi %get3A_145, %mul3A_151 : vector<16xi32>
        %get3A_153 = arith.index_cast %add3A_138 : i32 to index
        %get3A_154 = tpu.vector_load %arg14[%get3A_153] {strides = array<i32>} : memref<512xi32, #tpu.memory_space<vmem>>, vector<16xi32>,
        %add3A_155 = arith.addi %get3A_154, %add3A_152 : vector<16xi32>
        %swap3A_156 = arith.index_cast %add3A_142 : i32 to index
        %swap3A_157 = tpu.vector_load %arg17[%swap3A_156] {strides = array<i32>} : memref<10240xi32, #tpu.memory_space<vmem>>, vector<16xi32>,
        tpu.vector_store %arg17[%swap3A_156], %add3A_155 {strides = array<i32>} : memref<10240xi32, #tpu.memory_space<vmem>>, vector<16xi32>,
        %get3A_158 = arith.index_cast %add3A_138 : i32 to index
        %get3A_159 = tpu.vector_load %arg15[%get3A_158] {strides = array<i32>} : memref<512xi32, #tpu.memory_space<vmem>>, vector<16xi32>,
        %add3A_160 = arith.addi %get3A_159, %add3A_152 : vector<16xi32>
        %swap3A_161 = arith.index_cast %add3A_142 : i32 to index
        %swap3A_162 = tpu.vector_load %arg18[%swap3A_161] {strides = array<i32>} : memref<10240xi32, #tpu.memory_space<vmem>>, vector<16xi32>,
        tpu.vector_store %arg18[%swap3A_161], %add3A_160 {strides = array<i32>} : memref<10240xi32, #tpu.memory_space<vmem>>, vector<16xi32>,
        %get3A_163 = arith.index_cast %add3A_138 : i32 to index
        %get3A_164 = tpu.vector_load %arg16[%get3A_163] {strides = array<i32>} : memref<512xi32, #tpu.memory_space<vmem>>, vector<16xi32>,
        %add3A_165 = arith.addi %get3A_164, %add3A_152 : vector<16xi32>
        %swap3A_166 = arith.index_cast %add3A_142 : i32 to index
        %swap3A_167 = tpu.vector_load %arg19[%swap3A_166] {strides = array<i32>} : memref<10240xi32, #tpu.memory_space<vmem>>, vector<16xi32>,
        tpu.vector_store %arg19[%swap3A_166], %add3A_165 {strides = array<i32>} : memref<10240xi32, #tpu.memory_space<vmem>>, vector<16xi32>,
        %mul3A_168 = arith.constant 128 : i32
        %mul3A_169 = arith.muli %scan3A_35, %mul3A_168 : i32
        %add3A_170 = arith.constant 64 : i32
        %add3A_171 = arith.addi %mul3A_169, %add3A_170 : i32
        %mul3A_172 = arith.constant 128 : i32
        %mul3A_173 = arith.muli %add3A_38, %mul3A_172 : i32
        %add3A_174 = arith.constant 64 : i32
        %add3A_175 = arith.addi %mul3A_173, %add3A_174 : i32
        %get3A_176 = arith.index_cast %scan3A_28 : i32 to index
        %get3A_177 = arith.index_cast %add3A_171 : i32 to index
        %get3A_178 = tpu.vector_load %arg13[%get3A_176, %get3A_177] {strides = array<i32>} : memref<20x512xi32, #tpu.memory_space<vmem>>, vector<16xi32>,
        %shift_right_arithmetic3A_179 = arith.constant 7 : i32
        %shift_right_arithmetic3A_180 = vector.broadcast %shift_right_arithmetic3A_179 : i32 to vector<16xi32>
        %shift_right_arithmetic3A_181 = arith.shrsi %get3A_178, %shift_right_arithmetic3A_180 : vector<16xi32>
        %mul3A_182 = arith.constant 896 : i32
        %mul3A_183 = vector.broadcast %mul3A_182 : i32 to vector<16xi32>
        %mul3A_184 = arith.muli %shift_right_arithmetic3A_181, %mul3A_183 : vector<16xi32>
        %add3A_185 = arith.addi %get3A_178, %mul3A_184 : vector<16xi32>
        %get3A_186 = arith.index_cast %add3A_171 : i32 to index
        %get3A_187 = tpu.vector_load %arg14[%get3A_186] {strides = array<i32>} : memref<512xi32, #tpu.memory_space<vmem>>, vector<16xi32>,
        %add3A_188 = arith.addi %get3A_187, %add3A_185 : vector<16xi32>
        %swap3A_189 = arith.index_cast %add3A_175 : i32 to index
        %swap3A_190 = tpu.vector_load %arg17[%swap3A_189] {strides = array<i32>} : memref<10240xi32, #tpu.memory_space<vmem>>, vector<16xi32>,
        tpu.vector_store %arg17[%swap3A_189], %add3A_188 {strides = array<i32>} : memref<10240xi32, #tpu.memory_space<vmem>>, vector<16xi32>,
        %get3A_191 = arith.index_cast %add3A_171 : i32 to index
        %get3A_192 = tpu.vector_load %arg15[%get3A_191] {strides = array<i32>} : memref<512xi32, #tpu.memory_space<vmem>>, vector<16xi32>,
        %add3A_193 = arith.addi %get3A_192, %add3A_185 : vector<16xi32>
        %swap3A_194 = arith.index_cast %add3A_175 : i32 to index
        %swap3A_195 = tpu.vector_load %arg18[%swap3A_194] {strides = array<i32>} : memref<10240xi32, #tpu.memory_space<vmem>>, vector<16xi32>,
        tpu.vector_store %arg18[%swap3A_194], %add3A_193 {strides = array<i32>} : memref<10240xi32, #tpu.memory_space<vmem>>, vector<16xi32>,
        %get3A_196 = arith.index_cast %add3A_171 : i32 to index
        %get3A_197 = tpu.vector_load %arg16[%get3A_196] {strides = array<i32>} : memref<512xi32, #tpu.memory_space<vmem>>, vector<16xi32>,
        %add3A_198 = arith.addi %get3A_197, %add3A_185 : vector<16xi32>
        %swap3A_199 = arith.index_cast %add3A_175 : i32 to index
        %swap3A_200 = tpu.vector_load %arg19[%swap3A_199] {strides = array<i32>} : memref<10240xi32, #tpu.memory_space<vmem>>, vector<16xi32>,
        tpu.vector_store %arg19[%swap3A_199], %add3A_198 {strides = array<i32>} : memref<10240xi32, #tpu.memory_space<vmem>>, vector<16xi32>,
        %mul3A_201 = arith.constant 128 : i32
        %mul3A_202 = arith.muli %scan3A_35, %mul3A_201 : i32
        %add3A_203 = arith.constant 80 : i32
        %add3A_204 = arith.addi %mul3A_202, %add3A_203 : i32
        %mul3A_205 = arith.constant 128 : i32
        %mul3A_206 = arith.muli %add3A_38, %mul3A_205 : i32
        %add3A_207 = arith.constant 80 : i32
        %add3A_208 = arith.addi %mul3A_206, %add3A_207 : i32
        %get3A_209 = arith.index_cast %scan3A_28 : i32 to index
        %get3A_210 = arith.index_cast %add3A_204 : i32 to index
        %get3A_211 = tpu.vector_load %arg13[%get3A_209, %get3A_210] {strides = array<i32>} : memref<20x512xi32, #tpu.memory_space<vmem>>, vector<16xi32>,
        %shift_right_arithmetic3A_212 = arith.constant 7 : i32
        %shift_right_arithmetic3A_213 = vector.broadcast %shift_right_arithmetic3A_212 : i32 to vector<16xi32>
        %shift_right_arithmetic3A_214 = arith.shrsi %get3A_211, %shift_right_arithmetic3A_213 : vector<16xi32>
        %mul3A_215 = arith.constant 896 : i32
        %mul3A_216 = vector.broadcast %mul3A_215 : i32 to vector<16xi32>
        %mul3A_217 = arith.muli %shift_right_arithmetic3A_214, %mul3A_216 : vector<16xi32>
        %add3A_218 = arith.addi %get3A_211, %mul3A_217 : vector<16xi32>
        %get3A_219 = arith.index_cast %add3A_204 : i32 to index
        %get3A_220 = tpu.vector_load %arg14[%get3A_219] {strides = array<i32>} : memref<512xi32, #tpu.memory_space<vmem>>, vector<16xi32>,
        %add3A_221 = arith.addi %get3A_220, %add3A_218 : vector<16xi32>
        %swap3A_222 = arith.index_cast %add3A_208 : i32 to index
        %swap3A_223 = tpu.vector_load %arg17[%swap3A_222] {strides = array<i32>} : memref<10240xi32, #tpu.memory_space<vmem>>, vector<16xi32>,
        tpu.vector_store %arg17[%swap3A_222], %add3A_221 {strides = array<i32>} : memref<10240xi32, #tpu.memory_space<vmem>>, vector<16xi32>,
        %get3A_224 = arith.index_cast %add3A_204 : i32 to index
        %get3A_225 = tpu.vector_load %arg15[%get3A_224] {strides = array<i32>} : memref<512xi32, #tpu.memory_space<vmem>>, vector<16xi32>,
        %add3A_226 = arith.addi %get3A_225, %add3A_218 : vector<16xi32>
        %swap3A_227 = arith.index_cast %add3A_208 : i32 to index
        %swap3A_228 = tpu.vector_load %arg18[%swap3A_227] {strides = array<i32>} : memref<10240xi32, #tpu.memory_space<vmem>>, vector<16xi32>,
        tpu.vector_store %arg18[%swap3A_227], %add3A_226 {strides = array<i32>} : memref<10240xi32, #tpu.memory_space<vmem>>, vector<16xi32>,
        %get3A_229 = arith.index_cast %add3A_204 : i32 to index
        %get3A_230 = tpu.vector_load %arg16[%get3A_229] {strides = array<i32>} : memref<512xi32, #tpu.memory_space<vmem>>, vector<16xi32>,
        %add3A_231 = arith.addi %get3A_230, %add3A_218 : vector<16xi32>
        %swap3A_232 = arith.index_cast %add3A_208 : i32 to index
        %swap3A_233 = tpu.vector_load %arg19[%swap3A_232] {strides = array<i32>} : memref<10240xi32, #tpu.memory_space<vmem>>, vector<16xi32>,
        tpu.vector_store %arg19[%swap3A_232], %add3A_231 {strides = array<i32>} : memref<10240xi32, #tpu.memory_space<vmem>>, vector<16xi32>,
        %mul3A_234 = arith.constant 128 : i32
        %mul3A_235 = arith.muli %scan3A_35, %mul3A_234 : i32
        %add3A_236 = arith.constant 96 : i32
        %add3A_237 = arith.addi %mul3A_235, %add3A_236 : i32
        %mul3A_238 = arith.constant 128 : i32
        %mul3A_239 = arith.muli %add3A_38, %mul3A_238 : i32
        %add3A_240 = arith.constant 96 : i32
        %add3A_241 = arith.addi %mul3A_239, %add3A_240 : i32
        %get3A_242 = arith.index_cast %scan3A_28 : i32 to index
        %get3A_243 = arith.index_cast %add3A_237 : i32 to index
        %get3A_244 = tpu.vector_load %arg13[%get3A_242, %get3A_243] {strides = array<i32>} : memref<20x512xi32, #tpu.memory_space<vmem>>, vector<16xi32>,
        %shift_right_arithmetic3A_245 = arith.constant 7 : i32
        %shift_right_arithmetic3A_246 = vector.broadcast %shift_right_arithmetic3A_245 : i32 to vector<16xi32>
        %shift_right_arithmetic3A_247 = arith.shrsi %get3A_244, %shift_right_arithmetic3A_246 : vector<16xi32>
        %mul3A_248 = arith.constant 896 : i32
        %mul3A_249 = vector.broadcast %mul3A_248 : i32 to vector<16xi32>
        %mul3A_250 = arith.muli %shift_right_arithmetic3A_247, %mul3A_249 : vector<16xi32>
        %add3A_251 = arith.addi %get3A_244, %mul3A_250 : vector<16xi32>
        %get3A_252 = arith.index_cast %add3A_237 : i32 to index
        %get3A_253 = tpu.vector_load %arg14[%get3A_252] {strides = array<i32>} : memref<512xi32, #tpu.memory_space<vmem>>, vector<16xi32>,
        %add3A_254 = arith.addi %get3A_253, %add3A_251 : vector<16xi32>
        %swap3A_255 = arith.index_cast %add3A_241 : i32 to index
        %swap3A_256 = tpu.vector_load %arg17[%swap3A_255] {strides = array<i32>} : memref<10240xi32, #tpu.memory_space<vmem>>, vector<16xi32>,
        tpu.vector_store %arg17[%swap3A_255], %add3A_254 {strides = array<i32>} : memref<10240xi32, #tpu.memory_space<vmem>>, vector<16xi32>,
        %get3A_257 = arith.index_cast %add3A_237 : i32 to index
        %get3A_258 = tpu.vector_load %arg15[%get3A_257] {strides = array<i32>} : memref<512xi32, #tpu.memory_space<vmem>>, vector<16xi32>,
        %add3A_259 = arith.addi %get3A_258, %add3A_251 : vector<16xi32>
        %swap3A_260 = arith.index_cast %add3A_241 : i32 to index
        %swap3A_261 = tpu.vector_load %arg18[%swap3A_260] {strides = array<i32>} : memref<10240xi32, #tpu.memory_space<vmem>>, vector<16xi32>,
        tpu.vector_store %arg18[%swap3A_260], %add3A_259 {strides = array<i32>} : memref<10240xi32, #tpu.memory_space<vmem>>, vector<16xi32>,
        %get3A_262 = arith.index_cast %add3A_237 : i32 to index
        %get3A_263 = tpu.vector_load %arg16[%get3A_262] {strides = array<i32>} : memref<512xi32, #tpu.memory_space<vmem>>, vector<16xi32>,
        %add3A_264 = arith.addi %get3A_263, %add3A_251 : vector<16xi32>
        %swap3A_265 = arith.index_cast %add3A_241 : i32 to index
        %swap3A_266 = tpu.vector_load %arg19[%swap3A_265] {strides = array<i32>} : memref<10240xi32, #tpu.memory_space<vmem>>, vector<16xi32>,
        tpu.vector_store %arg19[%swap3A_265], %add3A_264 {strides = array<i32>} : memref<10240xi32, #tpu.memory_space<vmem>>, vector<16xi32>,
        %mul3A_267 = arith.constant 128 : i32
        %mul3A_268 = arith.muli %scan3A_35, %mul3A_267 : i32
        %add3A_269 = arith.constant 112 : i32
        %add3A_270 = arith.addi %mul3A_268, %add3A_269 : i32
        %mul3A_271 = arith.constant 128 : i32
        %mul3A_272 = arith.muli %add3A_38, %mul3A_271 : i32
        %add3A_273 = arith.constant 112 : i32
        %add3A_274 = arith.addi %mul3A_272, %add3A_273 : i32
        %get3A_275 = arith.index_cast %scan3A_28 : i32 to index
        %get3A_276 = arith.index_cast %add3A_270 : i32 to index
        %get3A_277 = tpu.vector_load %arg13[%get3A_275, %get3A_276] {strides = array<i32>} : memref<20x512xi32, #tpu.memory_space<vmem>>, vector<16xi32>,
        %shift_right_arithmetic3A_278 = arith.constant 7 : i32
        %shift_right_arithmetic3A_279 = vector.broadcast %shift_right_arithmetic3A_278 : i32 to vector<16xi32>
        %shift_right_arithmetic3A_280 = arith.shrsi %get3A_277, %shift_right_arithmetic3A_279 : vector<16xi32>
        %mul3A_281 = arith.constant 896 : i32
        %mul3A_282 = vector.broadcast %mul3A_281 : i32 to vector<16xi32>
        %mul3A_283 = arith.muli %shift_right_arithmetic3A_280, %mul3A_282 : vector<16xi32>
        %add3A_284 = arith.addi %get3A_277, %mul3A_283 : vector<16xi32>
        %get3A_285 = arith.index_cast %add3A_270 : i32 to index
        %get3A_286 = tpu.vector_load %arg14[%get3A_285] {strides = array<i32>} : memref<512xi32, #tpu.memory_space<vmem>>, vector<16xi32>,
        %add3A_287 = arith.addi %get3A_286, %add3A_284 : vector<16xi32>
        %swap3A_288 = arith.index_cast %add3A_274 : i32 to index
        %swap3A_289 = tpu.vector_load %arg17[%swap3A_288] {strides = array<i32>} : memref<10240xi32, #tpu.memory_space<vmem>>, vector<16xi32>,
        tpu.vector_store %arg17[%swap3A_288], %add3A_287 {strides = array<i32>} : memref<10240xi32, #tpu.memory_space<vmem>>, vector<16xi32>,
        %get3A_290 = arith.index_cast %add3A_270 : i32 to index
        %get3A_291 = tpu.vector_load %arg15[%get3A_290] {strides = array<i32>} : memref<512xi32, #tpu.memory_space<vmem>>, vector<16xi32>,
        %add3A_292 = arith.addi %get3A_291, %add3A_284 : vector<16xi32>
        %swap3A_293 = arith.index_cast %add3A_274 : i32 to index
        %swap3A_294 = tpu.vector_load %arg18[%swap3A_293] {strides = array<i32>} : memref<10240xi32, #tpu.memory_space<vmem>>, vector<16xi32>,
        tpu.vector_store %arg18[%swap3A_293], %add3A_292 {strides = array<i32>} : memref<10240xi32, #tpu.memory_space<vmem>>, vector<16xi32>,
        %get3A_295 = arith.index_cast %add3A_270 : i32 to index
        %get3A_296 = tpu.vector_load %arg16[%get3A_295] {strides = array<i32>} : memref<512xi32, #tpu.memory_space<vmem>>, vector<16xi32>,
        %add3A_297 = arith.addi %get3A_296, %add3A_284 : vector<16xi32>
        %swap3A_298 = arith.index_cast %add3A_274 : i32 to index
        %swap3A_299 = tpu.vector_load %arg19[%swap3A_298] {strides = array<i32>} : memref<10240xi32, #tpu.memory_space<vmem>>, vector<16xi32>,
        tpu.vector_store %arg19[%swap3A_298], %add3A_297 {strides = array<i32>} : memref<10240xi32, #tpu.memory_space<vmem>>, vector<16xi32>,
      }
      %scan3A_34 = arith.constant 4 : i32
    }
    %scan3A_15 = arith.constant 20 : i32
    %dma_start3A = arith.constant 0 : i32
    %dma_start3A_16 = tpu.memref_slice %arg6[%dma_start3A] : memref<800768xf32, #tpu.memory_space<hbm>> -> memref<800768xf32, #tpu.memory_space<hbm>>
    tpu.enqueue_indirect_dma source(%dma_start3A_16 : memref<800768xf32, #tpu.memory_space<hbm>>) target(%arg20 : memref<10240xf32, #tpu.memory_space<vmem>>) offsets(%arg17 : memref<10240xi32, #tpu.memory_space<vmem>>) semaphore(%arg22 : memref<!tpu.dma_semaphore, #tpu.memory_space<semaphore_mem>>)
    %dma_start3A_17 = arith.constant 0 : i32
    %dma_start3A_18 = tpu.memref_slice %arg7[%dma_start3A_17] : memref<12812288xf32, #tpu.memory_space<hbm>> -> memref<12812288xf32, #tpu.memory_space<hbm>>
    tpu.enqueue_indirect_dma source(%dma_start3A_18 : memref<12812288xf32, #tpu.memory_space<hbm>>) target(%arg21 : memref<10240xf32, #tpu.memory_space<vmem>>) offsets(%arg18 : memref<10240xi32, #tpu.memory_space<vmem>>) semaphore(%arg23 : memref<!tpu.dma_semaphore, #tpu.memory_space<semaphore_mem>>)
    "tpu.region"() ({
      %run_scoped3A = tpu.sem_alloc : memref<!tpu.dma_semaphore, #tpu.memory_space<semaphore_mem>>
      %dma_start3A_28 = tpu.memref_slice %arg9[%mul3A_4] : memref<327680xi32, #tpu.memory_space<hbm>> -> memref<10240xi32, #tpu.memory_space<hbm>>
      %dma_start3A_29 = tpu.memref_slice %arg9[%mul3A_4] : memref<327680xi32, #tpu.memory_space<hbm>> -> memref<10240xi32, #tpu.memory_space<hbm>>
      tpu.enqueue_dma source(%arg19 : memref<10240xi32, #tpu.memory_space<vmem>>) target(%dma_start3A_29 : memref<10240xi32, #tpu.memory_space<hbm>>) target_semaphore(%run_scoped3A : memref<!tpu.dma_semaphore, #tpu.memory_space<semaphore_mem>>)
      %dma_wait3A_30 = tpu.memref_slice %arg9[%mul3A_4] : memref<327680xi32, #tpu.memory_space<hbm>> -> memref<10240xi32, #tpu.memory_space<hbm>>
      %dma_wait3A_31 = tpu.memref_slice %arg9[%mul3A_4] : memref<327680xi32, #tpu.memory_space<hbm>> -> memref<10240xi32, #tpu.memory_space<hbm>>
      tpu.wait_dma2 semaphore(%run_scoped3A : memref<!tpu.dma_semaphore, #tpu.memory_space<semaphore_mem>>) src(%arg19 : memref<10240xi32, #tpu.memory_space<vmem>>) dst(%dma_wait3A_31 : memref<10240xi32, #tpu.memory_space<hbm>>)
      tpu.yield
    }) : () -> ()
    %dma_wait3A = arith.constant 0 : i32
    %dma_wait3A_19 = tpu.memref_slice %arg6[%dma_wait3A] : memref<800768xf32, #tpu.memory_space<hbm>> -> memref<800768xf32, #tpu.memory_space<hbm>>
    tpu.wait_indirect_dma semaphore(%arg22 : memref<!tpu.dma_semaphore, #tpu.memory_space<semaphore_mem>>) src(%dma_wait3A_19 : memref<800768xf32, #tpu.memory_space<hbm>>) dst(%arg20 : memref<10240xf32, #tpu.memory_space<vmem>>)
    %dma_wait3A_20 = arith.constant 0 : i32
    %dma_wait3A_21 = tpu.memref_slice %arg7[%dma_wait3A_20] : memref<12812288xf32, #tpu.memory_space<hbm>> -> memref<12812288xf32, #tpu.memory_space<hbm>>
    tpu.wait_indirect_dma semaphore(%arg23 : memref<!tpu.dma_semaphore, #tpu.memory_space<semaphore_mem>>) src(%dma_wait3A_21 : memref<12812288xf32, #tpu.memory_space<hbm>>) dst(%arg21 : memref<10240xf32, #tpu.memory_space<vmem>>)
    %scan3A_22 = arith.constant 0 : i32
    %scan3A_23 = arith.constant 0 : i32
    %scan3A_24 = arith.constant 80 : i32
    %scan3A_25 = arith.addi %scan3A_23, %scan3A_24 : i32
    %scan3A_26 = arith.constant 1 : i32
    scf.for %scan3A_28 = %scan3A_23 to %scan3A_25 step %scan3A_26  : i32 {
      %mul3A_29 = arith.constant 128 : i32
      %mul3A_30 = arith.muli %scan3A_28, %mul3A_29 : i32
      %add3A_31 = arith.constant 0 : i32
      %add3A_32 = arith.addi %mul3A_30, %add3A_31 : i32
      %get3A = arith.index_cast %add3A_32 : i32 to index
      %get3A_33 = tpu.vector_load %arg20[%get3A] {strides = array<i32>} : memref<10240xf32, #tpu.memory_space<vmem>>, vector<16xf32>,
      %get3A_34 = arith.index_cast %add3A_32 : i32 to index
      %get3A_35 = tpu.vector_load %arg21[%get3A_34] {strides = array<i32>} : memref<10240xf32, #tpu.memory_space<vmem>>, vector<16xf32>,
      %add3A_36 = arith.addf %get3A_33, %get3A_35 : vector<16xf32>
      %swap3A = arith.index_cast %add3A_32 : i32 to index
      %swap3A_37 = tpu.vector_load %arg20[%swap3A] {strides = array<i32>} : memref<10240xf32, #tpu.memory_space<vmem>>, vector<16xf32>,
      tpu.vector_store %arg20[%swap3A], %add3A_36 {strides = array<i32>} : memref<10240xf32, #tpu.memory_space<vmem>>, vector<16xf32>,
      %mul3A_38 = arith.constant 128 : i32
      %mul3A_39 = arith.muli %scan3A_28, %mul3A_38 : i32
      %add3A_40 = arith.constant 16 : i32
      %add3A_41 = arith.addi %mul3A_39, %add3A_40 : i32
      %get3A_42 = arith.index_cast %add3A_41 : i32 to index
      %get3A_43 = tpu.vector_load %arg20[%get3A_42] {strides = array<i32>} : memref<10240xf32, #tpu.memory_space<vmem>>, vector<16xf32>,
      %get3A_44 = arith.index_cast %add3A_41 : i32 to index
      %get3A_45 = tpu.vector_load %arg21[%get3A_44] {strides = array<i32>} : memref<10240xf32, #tpu.memory_space<vmem>>, vector<16xf32>,
      %add3A_46 = arith.addf %get3A_43, %get3A_45 : vector<16xf32>
      %swap3A_47 = arith.index_cast %add3A_41 : i32 to index
      %swap3A_48 = tpu.vector_load %arg20[%swap3A_47] {strides = array<i32>} : memref<10240xf32, #tpu.memory_space<vmem>>, vector<16xf32>,
      tpu.vector_store %arg20[%swap3A_47], %add3A_46 {strides = array<i32>} : memref<10240xf32, #tpu.memory_space<vmem>>, vector<16xf32>,
      %mul3A_49 = arith.constant 128 : i32
      %mul3A_50 = arith.muli %scan3A_28, %mul3A_49 : i32
      %add3A_51 = arith.constant 32 : i32
      %add3A_52 = arith.addi %mul3A_50, %add3A_51 : i32
      %get3A_53 = arith.index_cast %add3A_52 : i32 to index
      %get3A_54 = tpu.vector_load %arg20[%get3A_53] {strides = array<i32>} : memref<10240xf32, #tpu.memory_space<vmem>>, vector<16xf32>,
      %get3A_55 = arith.index_cast %add3A_52 : i32 to index
      %get3A_56 = tpu.vector_load %arg21[%get3A_55] {strides = array<i32>} : memref<10240xf32, #tpu.memory_space<vmem>>, vector<16xf32>,
      %add3A_57 = arith.addf %get3A_54, %get3A_56 : vector<16xf32>
      %swap3A_58 = arith.index_cast %add3A_52 : i32 to index
      %swap3A_59 = tpu.vector_load %arg20[%swap3A_58] {strides = array<i32>} : memref<10240xf32, #tpu.memory_space<vmem>>, vector<16xf32>,
      tpu.vector_store %arg20[%swap3A_58], %add3A_57 {strides = array<i32>} : memref<10240xf32, #tpu.memory_space<vmem>>, vector<16xf32>,
      %mul3A_60 = arith.constant 128 : i32
      %mul3A_61 = arith.muli %scan3A_28, %mul3A_60 : i32
      %add3A_62 = arith.constant 48 : i32
      %add3A_63 = arith.addi %mul3A_61, %add3A_62 : i32
      %get3A_64 = arith.index_cast %add3A_63 : i32 to index
      %get3A_65 = tpu.vector_load %arg20[%get3A_64] {strides = array<i32>} : memref<10240xf32, #tpu.memory_space<vmem>>, vector<16xf32>,
      %get3A_66 = arith.index_cast %add3A_63 : i32 to index
      %get3A_67 = tpu.vector_load %arg21[%get3A_66] {strides = array<i32>} : memref<10240xf32, #tpu.memory_space<vmem>>, vector<16xf32>,
      %add3A_68 = arith.addf %get3A_65, %get3A_67 : vector<16xf32>
      %swap3A_69 = arith.index_cast %add3A_63 : i32 to index
      %swap3A_70 = tpu.vector_load %arg20[%swap3A_69] {strides = array<i32>} : memref<10240xf32, #tpu.memory_space<vmem>>, vector<16xf32>,
      tpu.vector_store %arg20[%swap3A_69], %add3A_68 {strides = array<i32>} : memref<10240xf32, #tpu.memory_space<vmem>>, vector<16xf32>,
      %mul3A_71 = arith.constant 128 : i32
      %mul3A_72 = arith.muli %scan3A_28, %mul3A_71 : i32
      %add3A_73 = arith.constant 64 : i32
      %add3A_74 = arith.addi %mul3A_72, %add3A_73 : i32
      %get3A_75 = arith.index_cast %add3A_74 : i32 to index
      %get3A_76 = tpu.vector_load %arg20[%get3A_75] {strides = array<i32>} : memref<10240xf32, #tpu.memory_space<vmem>>, vector<16xf32>,
      %get3A_77 = arith.index_cast %add3A_74 : i32 to index
      %get3A_78 = tpu.vector_load %arg21[%get3A_77] {strides = array<i32>} : memref<10240xf32, #tpu.memory_space<vmem>>, vector<16xf32>,
      %add3A_79 = arith.addf %get3A_76, %get3A_78 : vector<16xf32>
      %swap3A_80 = arith.index_cast %add3A_74 : i32 to index
      %swap3A_81 = tpu.vector_load %arg20[%swap3A_80] {strides = array<i32>} : memref<10240xf32, #tpu.memory_space<vmem>>, vector<16xf32>,
      tpu.vector_store %arg20[%swap3A_80], %add3A_79 {strides = array<i32>} : memref<10240xf32, #tpu.memory_space<vmem>>, vector<16xf32>,
      %mul3A_82 = arith.constant 128 : i32
      %mul3A_83 = arith.muli %scan3A_28, %mul3A_82 : i32
      %add3A_84 = arith.constant 80 : i32
      %add3A_85 = arith.addi %mul3A_83, %add3A_84 : i32
      %get3A_86 = arith.index_cast %add3A_85 : i32 to index
      %get3A_87 = tpu.vector_load %arg20[%get3A_86] {strides = array<i32>} : memref<10240xf32, #tpu.memory_space<vmem>>, vector<16xf32>,
      %get3A_88 = arith.index_cast %add3A_85 : i32 to index
      %get3A_89 = tpu.vector_load %arg21[%get3A_88] {strides = array<i32>} : memref<10240xf32, #tpu.memory_space<vmem>>, vector<16xf32>,
      %add3A_90 = arith.addf %get3A_87, %get3A_89 : vector<16xf32>
      %swap3A_91 = arith.index_cast %add3A_85 : i32 to index
      %swap3A_92 = tpu.vector_load %arg20[%swap3A_91] {strides = array<i32>} : memref<10240xf32, #tpu.memory_space<vmem>>, vector<16xf32>,
      tpu.vector_store %arg20[%swap3A_91], %add3A_90 {strides = array<i32>} : memref<10240xf32, #tpu.memory_space<vmem>>, vector<16xf32>,
      %mul3A_93 = arith.constant 128 : i32
      %mul3A_94 = arith.muli %scan3A_28, %mul3A_93 : i32
      %add3A_95 = arith.constant 96 : i32
      %add3A_96 = arith.addi %mul3A_94, %add3A_95 : i32
      %get3A_97 = arith.index_cast %add3A_96 : i32 to index
      %get3A_98 = tpu.vector_load %arg20[%get3A_97] {strides = array<i32>} : memref<10240xf32, #tpu.memory_space<vmem>>, vector<16xf32>,
      %get3A_99 = arith.index_cast %add3A_96 : i32 to index
      %get3A_100 = tpu.vector_load %arg21[%get3A_99] {strides = array<i32>} : memref<10240xf32, #tpu.memory_space<vmem>>, vector<16xf32>,
      %add3A_101 = arith.addf %get3A_98, %get3A_100 : vector<16xf32>
      %swap3A_102 = arith.index_cast %add3A_96 : i32 to index
      %swap3A_103 = tpu.vector_load %arg20[%swap3A_102] {strides = array<i32>} : memref<10240xf32, #tpu.memory_space<vmem>>, vector<16xf32>,
      tpu.vector_store %arg20[%swap3A_102], %add3A_101 {strides = array<i32>} : memref<10240xf32, #tpu.memory_space<vmem>>, vector<16xf32>,
      %mul3A_104 = arith.constant 128 : i32
      %mul3A_105 = arith.muli %scan3A_28, %mul3A_104 : i32
      %add3A_106 = arith.constant 112 : i32
      %add3A_107 = arith.addi %mul3A_105, %add3A_106 : i32
      %get3A_108 = arith.index_cast %add3A_107 : i32 to index
      %get3A_109 = tpu.vector_load %arg20[%get3A_108] {strides = array<i32>} : memref<10240xf32, #tpu.memory_space<vmem>>, vector<16xf32>,
      %get3A_110 = arith.index_cast %add3A_107 : i32 to index
      %get3A_111 = tpu.vector_load %arg21[%get3A_110] {strides = array<i32>} : memref<10240xf32, #tpu.memory_space<vmem>>, vector<16xf32>,
      %add3A_112 = arith.addf %get3A_109, %get3A_111 : vector<16xf32>
      %swap3A_113 = arith.index_cast %add3A_107 : i32 to index
      %swap3A_114 = tpu.vector_load %arg20[%swap3A_113] {strides = array<i32>} : memref<10240xf32, #tpu.memory_space<vmem>>, vector<16xf32>,
      tpu.vector_store %arg20[%swap3A_113], %add3A_112 {strides = array<i32>} : memref<10240xf32, #tpu.memory_space<vmem>>, vector<16xf32>,
    }
    %scan3A_27 = arith.constant 80 : i32
    "tpu.region"() ({
      %run_scoped3A = tpu.sem_alloc : memref<!tpu.dma_semaphore, #tpu.memory_space<semaphore_mem>>
      %dma_start3A_28 = tpu.memref_slice %arg8[%mul3A_4] : memref<327680xf32, #tpu.memory_space<hbm>> -> memref<10240xf32, #tpu.memory_space<hbm>>
      %dma_start3A_29 = tpu.memref_slice %arg8[%mul3A_4] : memref<327680xf32, #tpu.memory_space<hbm>> -> memref<10240xf32, #tpu.memory_space<hbm>>
      tpu.enqueue_dma source(%arg20 : memref<10240xf32, #tpu.memory_space<vmem>>) target(%dma_start3A_29 : memref<10240xf32, #tpu.memory_space<hbm>>) target_semaphore(%run_scoped3A : memref<!tpu.dma_semaphore, #tpu.memory_space<semaphore_mem>>)
      %dma_wait3A_30 = tpu.memref_slice %arg8[%mul3A_4] : memref<327680xf32, #tpu.memory_space<hbm>> -> memref<10240xf32, #tpu.memory_space<hbm>>
      %dma_wait3A_31 = tpu.memref_slice %arg8[%mul3A_4] : memref<327680xf32, #tpu.memory_space<hbm>> -> memref<10240xf32, #tpu.memory_space<hbm>>
      tpu.wait_dma2 semaphore(%run_scoped3A : memref<!tpu.dma_semaphore, #tpu.memory_space<semaphore_mem>>) src(%arg20 : memref<10240xf32, #tpu.memory_space<vmem>>) dst(%dma_wait3A_31 : memref<10240xf32, #tpu.memory_space<hbm>>)
      tpu.yield
    }) : () -> ()
    return
  }
}

#map = affine_map<(d0, d1) -> (0, 0)>
#map1 = affine_map<(d0, d1) -> (0)>
module attributes {stable_mosaic.version = 14 : i64} {
  func.func @_body_b(%arg0: i32, %arg1: i32, %arg2: memref<20x16384xi32, #tpu.memory_space<hbm>>, %arg3: memref<20x16384xf32, #tpu.memory_space<hbm>>, %arg4: memref<51249152xf32, #tpu.memory_space<hbm>>, %arg5: memref<327680xf32, #tpu.memory_space<hbm>>, %arg6: memref<327680xi32, #tpu.memory_space<hbm>>, %arg7: memref<16384xf32, #tpu.memory_space<hbm>>, %arg8: memref<20x512xi32, #tpu.memory_space<vmem>>, %arg9: memref<20x512xf32, #tpu.memory_space<vmem>>, %arg10: memref<10240xf32, #tpu.memory_space<vmem>>, %arg11: memref<10240xi32, #tpu.memory_space<vmem>>, %arg12: memref<10240xf32, #tpu.memory_space<vmem>>, %arg13: memref<10240xf32, #tpu.memory_space<vmem>>, %arg14: memref<512xf32, #tpu.memory_space<vmem>>, %arg15: memref<!tpu.dma_semaphore, #tpu.memory_space<semaphore_mem>>) attributes {dimension_semantics = [#tpu.dimension_semantics<core_parallel>, #tpu.dimension_semantics<subcore_parallel>], iteration_bounds = array<i64: 2, 16>, scalar_prefetch = 0 : i64, scratch_operands = 8 : i64, tpu.core_type = #tpu.core_type<sc_vector_subcore>, window_params = [{transform_indices = #map}, {transform_indices = #map}, {transform_indices = #map1}, {transform_indices = #map1}, {transform_indices = #map1}, {transform_indices = #map1}]} {
    %mul3A = arith.constant 2 : i32
    %mul3A_0 = arith.muli %arg1, %mul3A : i32
    %add3A = arith.addi %mul3A_0, %arg0 : i32
    %mul3A_1 = arith.constant 512 : i32
    %mul3A_2 = arith.muli %add3A, %mul3A_1 : i32
    %mul3A_3 = arith.constant 10240 : i32
    %mul3A_4 = arith.muli %add3A, %mul3A_3 : i32
    "tpu.region"() ({
      %run_scoped3A = tpu.sem_alloc : memref<!tpu.dma_semaphore, #tpu.memory_space<semaphore_mem>>
      %dma_start3A_18 = tpu.memref_slice %arg6[%mul3A_4] : memref<327680xi32, #tpu.memory_space<hbm>> -> memref<10240xi32, #tpu.memory_space<hbm>>
      %dma_start3A_19 = tpu.memref_slice %arg6[%mul3A_4] : memref<327680xi32, #tpu.memory_space<hbm>> -> memref<10240xi32, #tpu.memory_space<hbm>>
      tpu.enqueue_dma source(%dma_start3A_19 : memref<10240xi32, #tpu.memory_space<hbm>>) target(%arg11 : memref<10240xi32, #tpu.memory_space<vmem>>) target_semaphore(%run_scoped3A : memref<!tpu.dma_semaphore, #tpu.memory_space<semaphore_mem>>)
      %dma_wait3A_20 = tpu.memref_slice %arg6[%mul3A_4] : memref<327680xi32, #tpu.memory_space<hbm>> -> memref<10240xi32, #tpu.memory_space<hbm>>
      %dma_wait3A_21 = tpu.memref_slice %arg6[%mul3A_4] : memref<327680xi32, #tpu.memory_space<hbm>> -> memref<10240xi32, #tpu.memory_space<hbm>>
      tpu.wait_dma2 semaphore(%run_scoped3A : memref<!tpu.dma_semaphore, #tpu.memory_space<semaphore_mem>>) src(%dma_wait3A_21 : memref<10240xi32, #tpu.memory_space<hbm>>) dst(%arg11 : memref<10240xi32, #tpu.memory_space<vmem>>)
      tpu.yield
    }) : () -> ()
    %dma_start3A = arith.constant 0 : i32
    %dma_start3A_5 = tpu.memref_slice %arg4[%dma_start3A] : memref<51249152xf32, #tpu.memory_space<hbm>> -> memref<51249152xf32, #tpu.memory_space<hbm>>
    tpu.enqueue_indirect_dma source(%dma_start3A_5 : memref<51249152xf32, #tpu.memory_space<hbm>>) target(%arg12 : memref<10240xf32, #tpu.memory_space<vmem>>) offsets(%arg11 : memref<10240xi32, #tpu.memory_space<vmem>>) semaphore(%arg15 : memref<!tpu.dma_semaphore, #tpu.memory_space<semaphore_mem>>)
    "tpu.region"() ({
      %run_scoped3A = tpu.sem_alloc : memref<!tpu.dma_semaphore, #tpu.memory_space<semaphore_mem>>
      %dma_start3A_18 = arith.constant 0 : i32
      %dma_start3A_19 = tpu.memref_slice %arg2[%dma_start3A_18, %mul3A_2] : memref<20x16384xi32, #tpu.memory_space<hbm>> -> memref<20x512xi32, #tpu.memory_space<hbm>>
      %dma_start3A_20 = arith.constant 0 : i32
      %dma_start3A_21 = tpu.memref_slice %arg2[%dma_start3A_20, %mul3A_2] : memref<20x16384xi32, #tpu.memory_space<hbm>> -> memref<20x512xi32, #tpu.memory_space<hbm>>
      tpu.enqueue_dma source(%dma_start3A_21 : memref<20x512xi32, #tpu.memory_space<hbm>>) target(%arg8 : memref<20x512xi32, #tpu.memory_space<vmem>>) target_semaphore(%run_scoped3A : memref<!tpu.dma_semaphore, #tpu.memory_space<semaphore_mem>>)
      %dma_wait3A_22 = arith.constant 0 : i32
      %dma_wait3A_23 = tpu.memref_slice %arg2[%dma_wait3A_22, %mul3A_2] : memref<20x16384xi32, #tpu.memory_space<hbm>> -> memref<20x512xi32, #tpu.memory_space<hbm>>
      %dma_wait3A_24 = arith.constant 0 : i32
      %dma_wait3A_25 = tpu.memref_slice %arg2[%dma_wait3A_24, %mul3A_2] : memref<20x16384xi32, #tpu.memory_space<hbm>> -> memref<20x512xi32, #tpu.memory_space<hbm>>
      tpu.wait_dma2 semaphore(%run_scoped3A : memref<!tpu.dma_semaphore, #tpu.memory_space<semaphore_mem>>) src(%dma_wait3A_25 : memref<20x512xi32, #tpu.memory_space<hbm>>) dst(%arg8 : memref<20x512xi32, #tpu.memory_space<vmem>>)
      tpu.yield
    }) : () -> ()
    "tpu.region"() ({
      %run_scoped3A = tpu.sem_alloc : memref<!tpu.dma_semaphore, #tpu.memory_space<semaphore_mem>>
      %dma_start3A_18 = arith.constant 0 : i32
      %dma_start3A_19 = tpu.memref_slice %arg3[%dma_start3A_18, %mul3A_2] : memref<20x16384xf32, #tpu.memory_space<hbm>> -> memref<20x512xf32, #tpu.memory_space<hbm>>
      %dma_start3A_20 = arith.constant 0 : i32
      %dma_start3A_21 = tpu.memref_slice %arg3[%dma_start3A_20, %mul3A_2] : memref<20x16384xf32, #tpu.memory_space<hbm>> -> memref<20x512xf32, #tpu.memory_space<hbm>>
      tpu.enqueue_dma source(%dma_start3A_21 : memref<20x512xf32, #tpu.memory_space<hbm>>) target(%arg9 : memref<20x512xf32, #tpu.memory_space<vmem>>) target_semaphore(%run_scoped3A : memref<!tpu.dma_semaphore, #tpu.memory_space<semaphore_mem>>)
      %dma_wait3A_22 = arith.constant 0 : i32
      %dma_wait3A_23 = tpu.memref_slice %arg3[%dma_wait3A_22, %mul3A_2] : memref<20x16384xf32, #tpu.memory_space<hbm>> -> memref<20x512xf32, #tpu.memory_space<hbm>>
      %dma_wait3A_24 = arith.constant 0 : i32
      %dma_wait3A_25 = tpu.memref_slice %arg3[%dma_wait3A_24, %mul3A_2] : memref<20x16384xf32, #tpu.memory_space<hbm>> -> memref<20x512xf32, #tpu.memory_space<hbm>>
      tpu.wait_dma2 semaphore(%run_scoped3A : memref<!tpu.dma_semaphore, #tpu.memory_space<semaphore_mem>>) src(%dma_wait3A_25 : memref<20x512xf32, #tpu.memory_space<hbm>>) dst(%arg9 : memref<20x512xf32, #tpu.memory_space<vmem>>)
      tpu.yield
    }) : () -> ()
    "tpu.region"() ({
      %run_scoped3A = tpu.sem_alloc : memref<!tpu.dma_semaphore, #tpu.memory_space<semaphore_mem>>
      %dma_start3A_18 = tpu.memref_slice %arg5[%mul3A_4] : memref<327680xf32, #tpu.memory_space<hbm>> -> memref<10240xf32, #tpu.memory_space<hbm>>
      %dma_start3A_19 = tpu.memref_slice %arg5[%mul3A_4] : memref<327680xf32, #tpu.memory_space<hbm>> -> memref<10240xf32, #tpu.memory_space<hbm>>
      tpu.enqueue_dma source(%dma_start3A_19 : memref<10240xf32, #tpu.memory_space<hbm>>) target(%arg10 : memref<10240xf32, #tpu.memory_space<vmem>>) target_semaphore(%run_scoped3A : memref<!tpu.dma_semaphore, #tpu.memory_space<semaphore_mem>>)
      %dma_wait3A_20 = tpu.memref_slice %arg5[%mul3A_4] : memref<327680xf32, #tpu.memory_space<hbm>> -> memref<10240xf32, #tpu.memory_space<hbm>>
      %dma_wait3A_21 = tpu.memref_slice %arg5[%mul3A_4] : memref<327680xf32, #tpu.memory_space<hbm>> -> memref<10240xf32, #tpu.memory_space<hbm>>
      tpu.wait_dma2 semaphore(%run_scoped3A : memref<!tpu.dma_semaphore, #tpu.memory_space<semaphore_mem>>) src(%dma_wait3A_21 : memref<10240xf32, #tpu.memory_space<hbm>>) dst(%arg10 : memref<10240xf32, #tpu.memory_space<vmem>>)
      tpu.yield
    }) : () -> ()
    %dma_wait3A = arith.constant 0 : i32
    %dma_wait3A_6 = tpu.memref_slice %arg4[%dma_wait3A] : memref<51249152xf32, #tpu.memory_space<hbm>> -> memref<51249152xf32, #tpu.memory_space<hbm>>
    tpu.wait_indirect_dma semaphore(%arg15 : memref<!tpu.dma_semaphore, #tpu.memory_space<semaphore_mem>>) src(%dma_wait3A_6 : memref<51249152xf32, #tpu.memory_space<hbm>>) dst(%arg12 : memref<10240xf32, #tpu.memory_space<vmem>>)
    %scan3A = arith.constant 0 : i32
    %scan3A_7 = arith.constant 0 : i32
    %scan3A_8 = arith.constant 20 : i32
    %scan3A_9 = arith.addi %scan3A_7, %scan3A_8 : i32
    %scan3A_10 = arith.constant 1 : i32
    scf.for %scan3A_18 = %scan3A_7 to %scan3A_9 step %scan3A_10  : i32 {
      %scan3A_19 = arith.constant 0 : i32
      %scan3A_20 = arith.constant 0 : i32
      %scan3A_21 = arith.constant 4 : i32
      %scan3A_22 = arith.addi %scan3A_20, %scan3A_21 : i32
      %scan3A_23 = arith.constant 1 : i32
      scf.for %scan3A_25 = %scan3A_20 to %scan3A_22 step %scan3A_23  : i32 {
        %mul3A_26 = arith.constant 4 : i32
        %mul3A_27 = arith.muli %scan3A_18, %mul3A_26 : i32
        %add3A_28 = arith.addi %mul3A_27, %scan3A_25 : i32
        %mul3A_29 = arith.constant 128 : i32
        %mul3A_30 = arith.muli %scan3A_25, %mul3A_29 : i32
        %add3A_31 = arith.constant 0 : i32
        %add3A_32 = arith.addi %mul3A_30, %add3A_31 : i32
        %mul3A_33 = arith.constant 128 : i32
        %mul3A_34 = arith.muli %add3A_28, %mul3A_33 : i32
        %add3A_35 = arith.constant 0 : i32
        %add3A_36 = arith.addi %mul3A_34, %add3A_35 : i32
        %get3A = arith.index_cast %add3A_36 : i32 to index
        %get3A_37 = tpu.vector_load %arg10[%get3A] {strides = array<i32>} : memref<10240xf32, #tpu.memory_space<vmem>>, vector<16xf32>,
        %get3A_38 = arith.index_cast %add3A_36 : i32 to index
        %get3A_39 = tpu.vector_load %arg12[%get3A_38] {strides = array<i32>} : memref<10240xf32, #tpu.memory_space<vmem>>, vector<16xf32>,
        %add3A_40 = arith.addf %get3A_37, %get3A_39 : vector<16xf32>
        %get3A_41 = arith.index_cast %scan3A_18 : i32 to index
        %get3A_42 = arith.index_cast %add3A_32 : i32 to index
        %get3A_43 = tpu.vector_load %arg9[%get3A_41, %get3A_42] {strides = array<i32>} : memref<20x512xf32, #tpu.memory_space<vmem>>, vector<16xf32>,
        %mul3A_44 = arith.mulf %get3A_43, %add3A_40 : vector<16xf32>
        %abs3A = math.absf %mul3A_44 : vector<16xf32>
        %neg3A = arith.constant 0.000000e+00 : f32
        %neg3A_45 = vector.broadcast %neg3A : f32 to vector<16xf32>
        %neg3A_46 = arith.subf %neg3A_45, %abs3A : vector<16xf32>
        %exp3A = math.exp %neg3A_46 : vector<16xf32>
        %add3A_47 = arith.constant 2.000000e+00 : f32
        %add3A_48 = vector.broadcast %add3A_47 : f32 to vector<16xf32>
        %add3A_49 = arith.addf %add3A_48, %exp3A : vector<16xf32>
        %div3A = arith.divf %exp3A, %add3A_49 : vector<16xf32>
        %mul3A_50 = arith.mulf %div3A, %div3A : vector<16xf32>
        %mul3A_51 = arith.constant 2.000000e+00 : f32
        %mul3A_52 = vector.broadcast %mul3A_51 : f32 to vector<16xf32>
        %mul3A_53 = arith.mulf %mul3A_52, %div3A : vector<16xf32>
        %mul3A_54 = arith.constant 0.111111112 : f32
        %mul3A_55 = vector.broadcast %mul3A_54 : f32 to vector<16xf32>
        %mul3A_56 = arith.mulf %mul3A_50, %mul3A_55 : vector<16xf32>
        %add3A_57 = arith.constant 0.142857149 : f32
        %add3A_58 = vector.broadcast %add3A_57 : f32 to vector<16xf32>
        %add3A_59 = arith.addf %add3A_58, %mul3A_56 : vector<16xf32>
        %mul3A_60 = arith.mulf %mul3A_50, %add3A_59 : vector<16xf32>
        %add3A_61 = arith.constant 2.000000e-01 : f32
        %add3A_62 = vector.broadcast %add3A_61 : f32 to vector<16xf32>
        %add3A_63 = arith.addf %add3A_62, %mul3A_60 : vector<16xf32>
        %mul3A_64 = arith.mulf %mul3A_50, %add3A_63 : vector<16xf32>
        %add3A_65 = arith.constant 0.333333343 : f32
        %add3A_66 = vector.broadcast %add3A_65 : f32 to vector<16xf32>
        %add3A_67 = arith.addf %add3A_66, %mul3A_64 : vector<16xf32>
        %mul3A_68 = arith.mulf %mul3A_50, %add3A_67 : vector<16xf32>
        %add3A_69 = arith.constant 1.000000e+00 : f32
        %add3A_70 = vector.broadcast %add3A_69 : f32 to vector<16xf32>
        %add3A_71 = arith.addf %add3A_70, %mul3A_68 : vector<16xf32>
        %mul3A_72 = arith.mulf %mul3A_53, %add3A_71 : vector<16xf32>
        %min3A = arith.constant 0.000000e+00 : f32
        %min3A_73 = vector.broadcast %min3A : f32 to vector<16xf32>
        %min3A_74 = arith.minimumf %mul3A_44, %min3A_73 : vector<16xf32>
        %sub3A = arith.subf %min3A_74, %mul3A_72 : vector<16xf32>
        %get3A_75 = arith.index_cast %scan3A_18 : i32 to index
        %get3A_76 = arith.index_cast %add3A_32 : i32 to index
        %get3A_77 = tpu.vector_load %arg8[%get3A_75, %get3A_76] {strides = array<i32>} : memref<20x512xi32, #tpu.memory_space<vmem>>, vector<16xi32>,
        %eq3A = arith.constant 100000 : i32
        %eq3A_78 = vector.broadcast %eq3A : i32 to vector<16xi32>
        %eq3A_79 = arith.cmpi eq, %get3A_77, %eq3A_78 : vector<16xi32>
        %jit3A = arith.constant 0.000000e+00 : f32
        %broadcast_in_dim3A = vector.broadcast %jit3A : f32 to vector<16xf32>
        %select_n3A = arith.select %eq3A_79, %broadcast_in_dim3A, %sub3A : vector<16xi1>, vector<16xf32>
        %swap3A = arith.index_cast %add3A_36 : i32 to index
        %swap3A_80 = tpu.vector_load %arg13[%swap3A] {strides = array<i32>} : memref<10240xf32, #tpu.memory_space<vmem>>, vector<16xf32>,
        tpu.vector_store %arg13[%swap3A], %select_n3A {strides = array<i32>} : memref<10240xf32, #tpu.memory_space<vmem>>, vector<16xf32>,
        %mul3A_81 = arith.constant 128 : i32
        %mul3A_82 = arith.muli %scan3A_25, %mul3A_81 : i32
        %add3A_83 = arith.constant 16 : i32
        %add3A_84 = arith.addi %mul3A_82, %add3A_83 : i32
        %mul3A_85 = arith.constant 128 : i32
        %mul3A_86 = arith.muli %add3A_28, %mul3A_85 : i32
        %add3A_87 = arith.constant 16 : i32
        %add3A_88 = arith.addi %mul3A_86, %add3A_87 : i32
        %get3A_89 = arith.index_cast %add3A_88 : i32 to index
        %get3A_90 = tpu.vector_load %arg10[%get3A_89] {strides = array<i32>} : memref<10240xf32, #tpu.memory_space<vmem>>, vector<16xf32>,
        %get3A_91 = arith.index_cast %add3A_88 : i32 to index
        %get3A_92 = tpu.vector_load %arg12[%get3A_91] {strides = array<i32>} : memref<10240xf32, #tpu.memory_space<vmem>>, vector<16xf32>,
        %add3A_93 = arith.addf %get3A_90, %get3A_92 : vector<16xf32>
        %get3A_94 = arith.index_cast %scan3A_18 : i32 to index
        %get3A_95 = arith.index_cast %add3A_84 : i32 to index
        %get3A_96 = tpu.vector_load %arg9[%get3A_94, %get3A_95] {strides = array<i32>} : memref<20x512xf32, #tpu.memory_space<vmem>>, vector<16xf32>,
        %mul3A_97 = arith.mulf %get3A_96, %add3A_93 : vector<16xf32>
        %abs3A_98 = math.absf %mul3A_97 : vector<16xf32>
        %neg3A_99 = arith.constant 0.000000e+00 : f32
        %neg3A_100 = vector.broadcast %neg3A_99 : f32 to vector<16xf32>
        %neg3A_101 = arith.subf %neg3A_100, %abs3A_98 : vector<16xf32>
        %exp3A_102 = math.exp %neg3A_101 : vector<16xf32>
        %add3A_103 = arith.constant 2.000000e+00 : f32
        %add3A_104 = vector.broadcast %add3A_103 : f32 to vector<16xf32>
        %add3A_105 = arith.addf %add3A_104, %exp3A_102 : vector<16xf32>
        %div3A_106 = arith.divf %exp3A_102, %add3A_105 : vector<16xf32>
        %mul3A_107 = arith.mulf %div3A_106, %div3A_106 : vector<16xf32>
        %mul3A_108 = arith.constant 2.000000e+00 : f32
        %mul3A_109 = vector.broadcast %mul3A_108 : f32 to vector<16xf32>
        %mul3A_110 = arith.mulf %mul3A_109, %div3A_106 : vector<16xf32>
        %mul3A_111 = arith.constant 0.111111112 : f32
        %mul3A_112 = vector.broadcast %mul3A_111 : f32 to vector<16xf32>
        %mul3A_113 = arith.mulf %mul3A_107, %mul3A_112 : vector<16xf32>
        %add3A_114 = arith.constant 0.142857149 : f32
        %add3A_115 = vector.broadcast %add3A_114 : f32 to vector<16xf32>
        %add3A_116 = arith.addf %add3A_115, %mul3A_113 : vector<16xf32>
        %mul3A_117 = arith.mulf %mul3A_107, %add3A_116 : vector<16xf32>
        %add3A_118 = arith.constant 2.000000e-01 : f32
        %add3A_119 = vector.broadcast %add3A_118 : f32 to vector<16xf32>
        %add3A_120 = arith.addf %add3A_119, %mul3A_117 : vector<16xf32>
        %mul3A_121 = arith.mulf %mul3A_107, %add3A_120 : vector<16xf32>
        %add3A_122 = arith.constant 0.333333343 : f32
        %add3A_123 = vector.broadcast %add3A_122 : f32 to vector<16xf32>
        %add3A_124 = arith.addf %add3A_123, %mul3A_121 : vector<16xf32>
        %mul3A_125 = arith.mulf %mul3A_107, %add3A_124 : vector<16xf32>
        %add3A_126 = arith.constant 1.000000e+00 : f32
        %add3A_127 = vector.broadcast %add3A_126 : f32 to vector<16xf32>
        %add3A_128 = arith.addf %add3A_127, %mul3A_125 : vector<16xf32>
        %mul3A_129 = arith.mulf %mul3A_110, %add3A_128 : vector<16xf32>
        %min3A_130 = arith.constant 0.000000e+00 : f32
        %min3A_131 = vector.broadcast %min3A_130 : f32 to vector<16xf32>
        %min3A_132 = arith.minimumf %mul3A_97, %min3A_131 : vector<16xf32>
        %sub3A_133 = arith.subf %min3A_132, %mul3A_129 : vector<16xf32>
        %get3A_134 = arith.index_cast %scan3A_18 : i32 to index
        %get3A_135 = arith.index_cast %add3A_84 : i32 to index
        %get3A_136 = tpu.vector_load %arg8[%get3A_134, %get3A_135] {strides = array<i32>} : memref<20x512xi32, #tpu.memory_space<vmem>>, vector<16xi32>,
        %eq3A_137 = arith.constant 100000 : i32
        %eq3A_138 = vector.broadcast %eq3A_137 : i32 to vector<16xi32>
        %eq3A_139 = arith.cmpi eq, %get3A_136, %eq3A_138 : vector<16xi32>
        %jit3A_140 = arith.constant 0.000000e+00 : f32
        %broadcast_in_dim3A_141 = vector.broadcast %jit3A_140 : f32 to vector<16xf32>
        %select_n3A_142 = arith.select %eq3A_139, %broadcast_in_dim3A_141, %sub3A_133 : vector<16xi1>, vector<16xf32>
        %swap3A_143 = arith.index_cast %add3A_88 : i32 to index
        %swap3A_144 = tpu.vector_load %arg13[%swap3A_143] {strides = array<i32>} : memref<10240xf32, #tpu.memory_space<vmem>>, vector<16xf32>,
        tpu.vector_store %arg13[%swap3A_143], %select_n3A_142 {strides = array<i32>} : memref<10240xf32, #tpu.memory_space<vmem>>, vector<16xf32>,
        %mul3A_145 = arith.constant 128 : i32
        %mul3A_146 = arith.muli %scan3A_25, %mul3A_145 : i32
        %add3A_147 = arith.constant 32 : i32
        %add3A_148 = arith.addi %mul3A_146, %add3A_147 : i32
        %mul3A_149 = arith.constant 128 : i32
        %mul3A_150 = arith.muli %add3A_28, %mul3A_149 : i32
        %add3A_151 = arith.constant 32 : i32
        %add3A_152 = arith.addi %mul3A_150, %add3A_151 : i32
        %get3A_153 = arith.index_cast %add3A_152 : i32 to index
        %get3A_154 = tpu.vector_load %arg10[%get3A_153] {strides = array<i32>} : memref<10240xf32, #tpu.memory_space<vmem>>, vector<16xf32>,
        %get3A_155 = arith.index_cast %add3A_152 : i32 to index
        %get3A_156 = tpu.vector_load %arg12[%get3A_155] {strides = array<i32>} : memref<10240xf32, #tpu.memory_space<vmem>>, vector<16xf32>,
        %add3A_157 = arith.addf %get3A_154, %get3A_156 : vector<16xf32>
        %get3A_158 = arith.index_cast %scan3A_18 : i32 to index
        %get3A_159 = arith.index_cast %add3A_148 : i32 to index
        %get3A_160 = tpu.vector_load %arg9[%get3A_158, %get3A_159] {strides = array<i32>} : memref<20x512xf32, #tpu.memory_space<vmem>>, vector<16xf32>,
        %mul3A_161 = arith.mulf %get3A_160, %add3A_157 : vector<16xf32>
        %abs3A_162 = math.absf %mul3A_161 : vector<16xf32>
        %neg3A_163 = arith.constant 0.000000e+00 : f32
        %neg3A_164 = vector.broadcast %neg3A_163 : f32 to vector<16xf32>
        %neg3A_165 = arith.subf %neg3A_164, %abs3A_162 : vector<16xf32>
        %exp3A_166 = math.exp %neg3A_165 : vector<16xf32>
        %add3A_167 = arith.constant 2.000000e+00 : f32
        %add3A_168 = vector.broadcast %add3A_167 : f32 to vector<16xf32>
        %add3A_169 = arith.addf %add3A_168, %exp3A_166 : vector<16xf32>
        %div3A_170 = arith.divf %exp3A_166, %add3A_169 : vector<16xf32>
        %mul3A_171 = arith.mulf %div3A_170, %div3A_170 : vector<16xf32>
        %mul3A_172 = arith.constant 2.000000e+00 : f32
        %mul3A_173 = vector.broadcast %mul3A_172 : f32 to vector<16xf32>
        %mul3A_174 = arith.mulf %mul3A_173, %div3A_170 : vector<16xf32>
        %mul3A_175 = arith.constant 0.111111112 : f32
        %mul3A_176 = vector.broadcast %mul3A_175 : f32 to vector<16xf32>
        %mul3A_177 = arith.mulf %mul3A_171, %mul3A_176 : vector<16xf32>
        %add3A_178 = arith.constant 0.142857149 : f32
        %add3A_179 = vector.broadcast %add3A_178 : f32 to vector<16xf32>
        %add3A_180 = arith.addf %add3A_179, %mul3A_177 : vector<16xf32>
        %mul3A_181 = arith.mulf %mul3A_171, %add3A_180 : vector<16xf32>
        %add3A_182 = arith.constant 2.000000e-01 : f32
        %add3A_183 = vector.broadcast %add3A_182 : f32 to vector<16xf32>
        %add3A_184 = arith.addf %add3A_183, %mul3A_181 : vector<16xf32>
        %mul3A_185 = arith.mulf %mul3A_171, %add3A_184 : vector<16xf32>
        %add3A_186 = arith.constant 0.333333343 : f32
        %add3A_187 = vector.broadcast %add3A_186 : f32 to vector<16xf32>
        %add3A_188 = arith.addf %add3A_187, %mul3A_185 : vector<16xf32>
        %mul3A_189 = arith.mulf %mul3A_171, %add3A_188 : vector<16xf32>
        %add3A_190 = arith.constant 1.000000e+00 : f32
        %add3A_191 = vector.broadcast %add3A_190 : f32 to vector<16xf32>
        %add3A_192 = arith.addf %add3A_191, %mul3A_189 : vector<16xf32>
        %mul3A_193 = arith.mulf %mul3A_174, %add3A_192 : vector<16xf32>
        %min3A_194 = arith.constant 0.000000e+00 : f32
        %min3A_195 = vector.broadcast %min3A_194 : f32 to vector<16xf32>
        %min3A_196 = arith.minimumf %mul3A_161, %min3A_195 : vector<16xf32>
        %sub3A_197 = arith.subf %min3A_196, %mul3A_193 : vector<16xf32>
        %get3A_198 = arith.index_cast %scan3A_18 : i32 to index
        %get3A_199 = arith.index_cast %add3A_148 : i32 to index
        %get3A_200 = tpu.vector_load %arg8[%get3A_198, %get3A_199] {strides = array<i32>} : memref<20x512xi32, #tpu.memory_space<vmem>>, vector<16xi32>,
        %eq3A_201 = arith.constant 100000 : i32
        %eq3A_202 = vector.broadcast %eq3A_201 : i32 to vector<16xi32>
        %eq3A_203 = arith.cmpi eq, %get3A_200, %eq3A_202 : vector<16xi32>
        %jit3A_204 = arith.constant 0.000000e+00 : f32
        %broadcast_in_dim3A_205 = vector.broadcast %jit3A_204 : f32 to vector<16xf32>
        %select_n3A_206 = arith.select %eq3A_203, %broadcast_in_dim3A_205, %sub3A_197 : vector<16xi1>, vector<16xf32>
        %swap3A_207 = arith.index_cast %add3A_152 : i32 to index
        %swap3A_208 = tpu.vector_load %arg13[%swap3A_207] {strides = array<i32>} : memref<10240xf32, #tpu.memory_space<vmem>>, vector<16xf32>,
        tpu.vector_store %arg13[%swap3A_207], %select_n3A_206 {strides = array<i32>} : memref<10240xf32, #tpu.memory_space<vmem>>, vector<16xf32>,
        %mul3A_209 = arith.constant 128 : i32
        %mul3A_210 = arith.muli %scan3A_25, %mul3A_209 : i32
        %add3A_211 = arith.constant 48 : i32
        %add3A_212 = arith.addi %mul3A_210, %add3A_211 : i32
        %mul3A_213 = arith.constant 128 : i32
        %mul3A_214 = arith.muli %add3A_28, %mul3A_213 : i32
        %add3A_215 = arith.constant 48 : i32
        %add3A_216 = arith.addi %mul3A_214, %add3A_215 : i32
        %get3A_217 = arith.index_cast %add3A_216 : i32 to index
        %get3A_218 = tpu.vector_load %arg10[%get3A_217] {strides = array<i32>} : memref<10240xf32, #tpu.memory_space<vmem>>, vector<16xf32>,
        %get3A_219 = arith.index_cast %add3A_216 : i32 to index
        %get3A_220 = tpu.vector_load %arg12[%get3A_219] {strides = array<i32>} : memref<10240xf32, #tpu.memory_space<vmem>>, vector<16xf32>,
        %add3A_221 = arith.addf %get3A_218, %get3A_220 : vector<16xf32>
        %get3A_222 = arith.index_cast %scan3A_18 : i32 to index
        %get3A_223 = arith.index_cast %add3A_212 : i32 to index
        %get3A_224 = tpu.vector_load %arg9[%get3A_222, %get3A_223] {strides = array<i32>} : memref<20x512xf32, #tpu.memory_space<vmem>>, vector<16xf32>,
        %mul3A_225 = arith.mulf %get3A_224, %add3A_221 : vector<16xf32>
        %abs3A_226 = math.absf %mul3A_225 : vector<16xf32>
        %neg3A_227 = arith.constant 0.000000e+00 : f32
        %neg3A_228 = vector.broadcast %neg3A_227 : f32 to vector<16xf32>
        %neg3A_229 = arith.subf %neg3A_228, %abs3A_226 : vector<16xf32>
        %exp3A_230 = math.exp %neg3A_229 : vector<16xf32>
        %add3A_231 = arith.constant 2.000000e+00 : f32
        %add3A_232 = vector.broadcast %add3A_231 : f32 to vector<16xf32>
        %add3A_233 = arith.addf %add3A_232, %exp3A_230 : vector<16xf32>
        %div3A_234 = arith.divf %exp3A_230, %add3A_233 : vector<16xf32>
        %mul3A_235 = arith.mulf %div3A_234, %div3A_234 : vector<16xf32>
        %mul3A_236 = arith.constant 2.000000e+00 : f32
        %mul3A_237 = vector.broadcast %mul3A_236 : f32 to vector<16xf32>
        %mul3A_238 = arith.mulf %mul3A_237, %div3A_234 : vector<16xf32>
        %mul3A_239 = arith.constant 0.111111112 : f32
        %mul3A_240 = vector.broadcast %mul3A_239 : f32 to vector<16xf32>
        %mul3A_241 = arith.mulf %mul3A_235, %mul3A_240 : vector<16xf32>
        %add3A_242 = arith.constant 0.142857149 : f32
        %add3A_243 = vector.broadcast %add3A_242 : f32 to vector<16xf32>
        %add3A_244 = arith.addf %add3A_243, %mul3A_241 : vector<16xf32>
        %mul3A_245 = arith.mulf %mul3A_235, %add3A_244 : vector<16xf32>
        %add3A_246 = arith.constant 2.000000e-01 : f32
        %add3A_247 = vector.broadcast %add3A_246 : f32 to vector<16xf32>
        %add3A_248 = arith.addf %add3A_247, %mul3A_245 : vector<16xf32>
        %mul3A_249 = arith.mulf %mul3A_235, %add3A_248 : vector<16xf32>
        %add3A_250 = arith.constant 0.333333343 : f32
        %add3A_251 = vector.broadcast %add3A_250 : f32 to vector<16xf32>
        %add3A_252 = arith.addf %add3A_251, %mul3A_249 : vector<16xf32>
        %mul3A_253 = arith.mulf %mul3A_235, %add3A_252 : vector<16xf32>
        %add3A_254 = arith.constant 1.000000e+00 : f32
        %add3A_255 = vector.broadcast %add3A_254 : f32 to vector<16xf32>
        %add3A_256 = arith.addf %add3A_255, %mul3A_253 : vector<16xf32>
        %mul3A_257 = arith.mulf %mul3A_238, %add3A_256 : vector<16xf32>
        %min3A_258 = arith.constant 0.000000e+00 : f32
        %min3A_259 = vector.broadcast %min3A_258 : f32 to vector<16xf32>
        %min3A_260 = arith.minimumf %mul3A_225, %min3A_259 : vector<16xf32>
        %sub3A_261 = arith.subf %min3A_260, %mul3A_257 : vector<16xf32>
        %get3A_262 = arith.index_cast %scan3A_18 : i32 to index
        %get3A_263 = arith.index_cast %add3A_212 : i32 to index
        %get3A_264 = tpu.vector_load %arg8[%get3A_262, %get3A_263] {strides = array<i32>} : memref<20x512xi32, #tpu.memory_space<vmem>>, vector<16xi32>,
        %eq3A_265 = arith.constant 100000 : i32
        %eq3A_266 = vector.broadcast %eq3A_265 : i32 to vector<16xi32>
        %eq3A_267 = arith.cmpi eq, %get3A_264, %eq3A_266 : vector<16xi32>
        %jit3A_268 = arith.constant 0.000000e+00 : f32
        %broadcast_in_dim3A_269 = vector.broadcast %jit3A_268 : f32 to vector<16xf32>
        %select_n3A_270 = arith.select %eq3A_267, %broadcast_in_dim3A_269, %sub3A_261 : vector<16xi1>, vector<16xf32>
        %swap3A_271 = arith.index_cast %add3A_216 : i32 to index
        %swap3A_272 = tpu.vector_load %arg13[%swap3A_271] {strides = array<i32>} : memref<10240xf32, #tpu.memory_space<vmem>>, vector<16xf32>,
        tpu.vector_store %arg13[%swap3A_271], %select_n3A_270 {strides = array<i32>} : memref<10240xf32, #tpu.memory_space<vmem>>, vector<16xf32>,
        %mul3A_273 = arith.constant 128 : i32
        %mul3A_274 = arith.muli %scan3A_25, %mul3A_273 : i32
        %add3A_275 = arith.constant 64 : i32
        %add3A_276 = arith.addi %mul3A_274, %add3A_275 : i32
        %mul3A_277 = arith.constant 128 : i32
        %mul3A_278 = arith.muli %add3A_28, %mul3A_277 : i32
        %add3A_279 = arith.constant 64 : i32
        %add3A_280 = arith.addi %mul3A_278, %add3A_279 : i32
        %get3A_281 = arith.index_cast %add3A_280 : i32 to index
        %get3A_282 = tpu.vector_load %arg10[%get3A_281] {strides = array<i32>} : memref<10240xf32, #tpu.memory_space<vmem>>, vector<16xf32>,
        %get3A_283 = arith.index_cast %add3A_280 : i32 to index
        %get3A_284 = tpu.vector_load %arg12[%get3A_283] {strides = array<i32>} : memref<10240xf32, #tpu.memory_space<vmem>>, vector<16xf32>,
        %add3A_285 = arith.addf %get3A_282, %get3A_284 : vector<16xf32>
        %get3A_286 = arith.index_cast %scan3A_18 : i32 to index
        %get3A_287 = arith.index_cast %add3A_276 : i32 to index
        %get3A_288 = tpu.vector_load %arg9[%get3A_286, %get3A_287] {strides = array<i32>} : memref<20x512xf32, #tpu.memory_space<vmem>>, vector<16xf32>,
        %mul3A_289 = arith.mulf %get3A_288, %add3A_285 : vector<16xf32>
        %abs3A_290 = math.absf %mul3A_289 : vector<16xf32>
        %neg3A_291 = arith.constant 0.000000e+00 : f32
        %neg3A_292 = vector.broadcast %neg3A_291 : f32 to vector<16xf32>
        %neg3A_293 = arith.subf %neg3A_292, %abs3A_290 : vector<16xf32>
        %exp3A_294 = math.exp %neg3A_293 : vector<16xf32>
        %add3A_295 = arith.constant 2.000000e+00 : f32
        %add3A_296 = vector.broadcast %add3A_295 : f32 to vector<16xf32>
        %add3A_297 = arith.addf %add3A_296, %exp3A_294 : vector<16xf32>
        %div3A_298 = arith.divf %exp3A_294, %add3A_297 : vector<16xf32>
        %mul3A_299 = arith.mulf %div3A_298, %div3A_298 : vector<16xf32>
        %mul3A_300 = arith.constant 2.000000e+00 : f32
        %mul3A_301 = vector.broadcast %mul3A_300 : f32 to vector<16xf32>
        %mul3A_302 = arith.mulf %mul3A_301, %div3A_298 : vector<16xf32>
        %mul3A_303 = arith.constant 0.111111112 : f32
        %mul3A_304 = vector.broadcast %mul3A_303 : f32 to vector<16xf32>
        %mul3A_305 = arith.mulf %mul3A_299, %mul3A_304 : vector<16xf32>
        %add3A_306 = arith.constant 0.142857149 : f32
        %add3A_307 = vector.broadcast %add3A_306 : f32 to vector<16xf32>
        %add3A_308 = arith.addf %add3A_307, %mul3A_305 : vector<16xf32>
        %mul3A_309 = arith.mulf %mul3A_299, %add3A_308 : vector<16xf32>
        %add3A_310 = arith.constant 2.000000e-01 : f32
        %add3A_311 = vector.broadcast %add3A_310 : f32 to vector<16xf32>
        %add3A_312 = arith.addf %add3A_311, %mul3A_309 : vector<16xf32>
        %mul3A_313 = arith.mulf %mul3A_299, %add3A_312 : vector<16xf32>
        %add3A_314 = arith.constant 0.333333343 : f32
        %add3A_315 = vector.broadcast %add3A_314 : f32 to vector<16xf32>
        %add3A_316 = arith.addf %add3A_315, %mul3A_313 : vector<16xf32>
        %mul3A_317 = arith.mulf %mul3A_299, %add3A_316 : vector<16xf32>
        %add3A_318 = arith.constant 1.000000e+00 : f32
        %add3A_319 = vector.broadcast %add3A_318 : f32 to vector<16xf32>
        %add3A_320 = arith.addf %add3A_319, %mul3A_317 : vector<16xf32>
        %mul3A_321 = arith.mulf %mul3A_302, %add3A_320 : vector<16xf32>
        %min3A_322 = arith.constant 0.000000e+00 : f32
        %min3A_323 = vector.broadcast %min3A_322 : f32 to vector<16xf32>
        %min3A_324 = arith.minimumf %mul3A_289, %min3A_323 : vector<16xf32>
        %sub3A_325 = arith.subf %min3A_324, %mul3A_321 : vector<16xf32>
        %get3A_326 = arith.index_cast %scan3A_18 : i32 to index
        %get3A_327 = arith.index_cast %add3A_276 : i32 to index
        %get3A_328 = tpu.vector_load %arg8[%get3A_326, %get3A_327] {strides = array<i32>} : memref<20x512xi32, #tpu.memory_space<vmem>>, vector<16xi32>,
        %eq3A_329 = arith.constant 100000 : i32
        %eq3A_330 = vector.broadcast %eq3A_329 : i32 to vector<16xi32>
        %eq3A_331 = arith.cmpi eq, %get3A_328, %eq3A_330 : vector<16xi32>
        %jit3A_332 = arith.constant 0.000000e+00 : f32
        %broadcast_in_dim3A_333 = vector.broadcast %jit3A_332 : f32 to vector<16xf32>
        %select_n3A_334 = arith.select %eq3A_331, %broadcast_in_dim3A_333, %sub3A_325 : vector<16xi1>, vector<16xf32>
        %swap3A_335 = arith.index_cast %add3A_280 : i32 to index
        %swap3A_336 = tpu.vector_load %arg13[%swap3A_335] {strides = array<i32>} : memref<10240xf32, #tpu.memory_space<vmem>>, vector<16xf32>,
        tpu.vector_store %arg13[%swap3A_335], %select_n3A_334 {strides = array<i32>} : memref<10240xf32, #tpu.memory_space<vmem>>, vector<16xf32>,
        %mul3A_337 = arith.constant 128 : i32
        %mul3A_338 = arith.muli %scan3A_25, %mul3A_337 : i32
        %add3A_339 = arith.constant 80 : i32
        %add3A_340 = arith.addi %mul3A_338, %add3A_339 : i32
        %mul3A_341 = arith.constant 128 : i32
        %mul3A_342 = arith.muli %add3A_28, %mul3A_341 : i32
        %add3A_343 = arith.constant 80 : i32
        %add3A_344 = arith.addi %mul3A_342, %add3A_343 : i32
        %get3A_345 = arith.index_cast %add3A_344 : i32 to index
        %get3A_346 = tpu.vector_load %arg10[%get3A_345] {strides = array<i32>} : memref<10240xf32, #tpu.memory_space<vmem>>, vector<16xf32>,
        %get3A_347 = arith.index_cast %add3A_344 : i32 to index
        %get3A_348 = tpu.vector_load %arg12[%get3A_347] {strides = array<i32>} : memref<10240xf32, #tpu.memory_space<vmem>>, vector<16xf32>,
        %add3A_349 = arith.addf %get3A_346, %get3A_348 : vector<16xf32>
        %get3A_350 = arith.index_cast %scan3A_18 : i32 to index
        %get3A_351 = arith.index_cast %add3A_340 : i32 to index
        %get3A_352 = tpu.vector_load %arg9[%get3A_350, %get3A_351] {strides = array<i32>} : memref<20x512xf32, #tpu.memory_space<vmem>>, vector<16xf32>,
        %mul3A_353 = arith.mulf %get3A_352, %add3A_349 : vector<16xf32>
        %abs3A_354 = math.absf %mul3A_353 : vector<16xf32>
        %neg3A_355 = arith.constant 0.000000e+00 : f32
        %neg3A_356 = vector.broadcast %neg3A_355 : f32 to vector<16xf32>
        %neg3A_357 = arith.subf %neg3A_356, %abs3A_354 : vector<16xf32>
        %exp3A_358 = math.exp %neg3A_357 : vector<16xf32>
        %add3A_359 = arith.constant 2.000000e+00 : f32
        %add3A_360 = vector.broadcast %add3A_359 : f32 to vector<16xf32>
        %add3A_361 = arith.addf %add3A_360, %exp3A_358 : vector<16xf32>
        %div3A_362 = arith.divf %exp3A_358, %add3A_361 : vector<16xf32>
        %mul3A_363 = arith.mulf %div3A_362, %div3A_362 : vector<16xf32>
        %mul3A_364 = arith.constant 2.000000e+00 : f32
        %mul3A_365 = vector.broadcast %mul3A_364 : f32 to vector<16xf32>
        %mul3A_366 = arith.mulf %mul3A_365, %div3A_362 : vector<16xf32>
        %mul3A_367 = arith.constant 0.111111112 : f32
        %mul3A_368 = vector.broadcast %mul3A_367 : f32 to vector<16xf32>
        %mul3A_369 = arith.mulf %mul3A_363, %mul3A_368 : vector<16xf32>
        %add3A_370 = arith.constant 0.142857149 : f32
        %add3A_371 = vector.broadcast %add3A_370 : f32 to vector<16xf32>
        %add3A_372 = arith.addf %add3A_371, %mul3A_369 : vector<16xf32>
        %mul3A_373 = arith.mulf %mul3A_363, %add3A_372 : vector<16xf32>
        %add3A_374 = arith.constant 2.000000e-01 : f32
        %add3A_375 = vector.broadcast %add3A_374 : f32 to vector<16xf32>
        %add3A_376 = arith.addf %add3A_375, %mul3A_373 : vector<16xf32>
        %mul3A_377 = arith.mulf %mul3A_363, %add3A_376 : vector<16xf32>
        %add3A_378 = arith.constant 0.333333343 : f32
        %add3A_379 = vector.broadcast %add3A_378 : f32 to vector<16xf32>
        %add3A_380 = arith.addf %add3A_379, %mul3A_377 : vector<16xf32>
        %mul3A_381 = arith.mulf %mul3A_363, %add3A_380 : vector<16xf32>
        %add3A_382 = arith.constant 1.000000e+00 : f32
        %add3A_383 = vector.broadcast %add3A_382 : f32 to vector<16xf32>
        %add3A_384 = arith.addf %add3A_383, %mul3A_381 : vector<16xf32>
        %mul3A_385 = arith.mulf %mul3A_366, %add3A_384 : vector<16xf32>
        %min3A_386 = arith.constant 0.000000e+00 : f32
        %min3A_387 = vector.broadcast %min3A_386 : f32 to vector<16xf32>
        %min3A_388 = arith.minimumf %mul3A_353, %min3A_387 : vector<16xf32>
        %sub3A_389 = arith.subf %min3A_388, %mul3A_385 : vector<16xf32>
        %get3A_390 = arith.index_cast %scan3A_18 : i32 to index
        %get3A_391 = arith.index_cast %add3A_340 : i32 to index
        %get3A_392 = tpu.vector_load %arg8[%get3A_390, %get3A_391] {strides = array<i32>} : memref<20x512xi32, #tpu.memory_space<vmem>>, vector<16xi32>,
        %eq3A_393 = arith.constant 100000 : i32
        %eq3A_394 = vector.broadcast %eq3A_393 : i32 to vector<16xi32>
        %eq3A_395 = arith.cmpi eq, %get3A_392, %eq3A_394 : vector<16xi32>
        %jit3A_396 = arith.constant 0.000000e+00 : f32
        %broadcast_in_dim3A_397 = vector.broadcast %jit3A_396 : f32 to vector<16xf32>
        %select_n3A_398 = arith.select %eq3A_395, %broadcast_in_dim3A_397, %sub3A_389 : vector<16xi1>, vector<16xf32>
        %swap3A_399 = arith.index_cast %add3A_344 : i32 to index
        %swap3A_400 = tpu.vector_load %arg13[%swap3A_399] {strides = array<i32>} : memref<10240xf32, #tpu.memory_space<vmem>>, vector<16xf32>,
        tpu.vector_store %arg13[%swap3A_399], %select_n3A_398 {strides = array<i32>} : memref<10240xf32, #tpu.memory_space<vmem>>, vector<16xf32>,
        %mul3A_401 = arith.constant 128 : i32
        %mul3A_402 = arith.muli %scan3A_25, %mul3A_401 : i32
        %add3A_403 = arith.constant 96 : i32
        %add3A_404 = arith.addi %mul3A_402, %add3A_403 : i32
        %mul3A_405 = arith.constant 128 : i32
        %mul3A_406 = arith.muli %add3A_28, %mul3A_405 : i32
        %add3A_407 = arith.constant 96 : i32
        %add3A_408 = arith.addi %mul3A_406, %add3A_407 : i32
        %get3A_409 = arith.index_cast %add3A_408 : i32 to index
        %get3A_410 = tpu.vector_load %arg10[%get3A_409] {strides = array<i32>} : memref<10240xf32, #tpu.memory_space<vmem>>, vector<16xf32>,
        %get3A_411 = arith.index_cast %add3A_408 : i32 to index
        %get3A_412 = tpu.vector_load %arg12[%get3A_411] {strides = array<i32>} : memref<10240xf32, #tpu.memory_space<vmem>>, vector<16xf32>,
        %add3A_413 = arith.addf %get3A_410, %get3A_412 : vector<16xf32>
        %get3A_414 = arith.index_cast %scan3A_18 : i32 to index
        %get3A_415 = arith.index_cast %add3A_404 : i32 to index
        %get3A_416 = tpu.vector_load %arg9[%get3A_414, %get3A_415] {strides = array<i32>} : memref<20x512xf32, #tpu.memory_space<vmem>>, vector<16xf32>,
        %mul3A_417 = arith.mulf %get3A_416, %add3A_413 : vector<16xf32>
        %abs3A_418 = math.absf %mul3A_417 : vector<16xf32>
        %neg3A_419 = arith.constant 0.000000e+00 : f32
        %neg3A_420 = vector.broadcast %neg3A_419 : f32 to vector<16xf32>
        %neg3A_421 = arith.subf %neg3A_420, %abs3A_418 : vector<16xf32>
        %exp3A_422 = math.exp %neg3A_421 : vector<16xf32>
        %add3A_423 = arith.constant 2.000000e+00 : f32
        %add3A_424 = vector.broadcast %add3A_423 : f32 to vector<16xf32>
        %add3A_425 = arith.addf %add3A_424, %exp3A_422 : vector<16xf32>
        %div3A_426 = arith.divf %exp3A_422, %add3A_425 : vector<16xf32>
        %mul3A_427 = arith.mulf %div3A_426, %div3A_426 : vector<16xf32>
        %mul3A_428 = arith.constant 2.000000e+00 : f32
        %mul3A_429 = vector.broadcast %mul3A_428 : f32 to vector<16xf32>
        %mul3A_430 = arith.mulf %mul3A_429, %div3A_426 : vector<16xf32>
        %mul3A_431 = arith.constant 0.111111112 : f32
        %mul3A_432 = vector.broadcast %mul3A_431 : f32 to vector<16xf32>
        %mul3A_433 = arith.mulf %mul3A_427, %mul3A_432 : vector<16xf32>
        %add3A_434 = arith.constant 0.142857149 : f32
        %add3A_435 = vector.broadcast %add3A_434 : f32 to vector<16xf32>
        %add3A_436 = arith.addf %add3A_435, %mul3A_433 : vector<16xf32>
        %mul3A_437 = arith.mulf %mul3A_427, %add3A_436 : vector<16xf32>
        %add3A_438 = arith.constant 2.000000e-01 : f32
        %add3A_439 = vector.broadcast %add3A_438 : f32 to vector<16xf32>
        %add3A_440 = arith.addf %add3A_439, %mul3A_437 : vector<16xf32>
        %mul3A_441 = arith.mulf %mul3A_427, %add3A_440 : vector<16xf32>
        %add3A_442 = arith.constant 0.333333343 : f32
        %add3A_443 = vector.broadcast %add3A_442 : f32 to vector<16xf32>
        %add3A_444 = arith.addf %add3A_443, %mul3A_441 : vector<16xf32>
        %mul3A_445 = arith.mulf %mul3A_427, %add3A_444 : vector<16xf32>
        %add3A_446 = arith.constant 1.000000e+00 : f32
        %add3A_447 = vector.broadcast %add3A_446 : f32 to vector<16xf32>
        %add3A_448 = arith.addf %add3A_447, %mul3A_445 : vector<16xf32>
        %mul3A_449 = arith.mulf %mul3A_430, %add3A_448 : vector<16xf32>
        %min3A_450 = arith.constant 0.000000e+00 : f32
        %min3A_451 = vector.broadcast %min3A_450 : f32 to vector<16xf32>
        %min3A_452 = arith.minimumf %mul3A_417, %min3A_451 : vector<16xf32>
        %sub3A_453 = arith.subf %min3A_452, %mul3A_449 : vector<16xf32>
        %get3A_454 = arith.index_cast %scan3A_18 : i32 to index
        %get3A_455 = arith.index_cast %add3A_404 : i32 to index
        %get3A_456 = tpu.vector_load %arg8[%get3A_454, %get3A_455] {strides = array<i32>} : memref<20x512xi32, #tpu.memory_space<vmem>>, vector<16xi32>,
        %eq3A_457 = arith.constant 100000 : i32
        %eq3A_458 = vector.broadcast %eq3A_457 : i32 to vector<16xi32>
        %eq3A_459 = arith.cmpi eq, %get3A_456, %eq3A_458 : vector<16xi32>
        %jit3A_460 = arith.constant 0.000000e+00 : f32
        %broadcast_in_dim3A_461 = vector.broadcast %jit3A_460 : f32 to vector<16xf32>
        %select_n3A_462 = arith.select %eq3A_459, %broadcast_in_dim3A_461, %sub3A_453 : vector<16xi1>, vector<16xf32>
        %swap3A_463 = arith.index_cast %add3A_408 : i32 to index
        %swap3A_464 = tpu.vector_load %arg13[%swap3A_463] {strides = array<i32>} : memref<10240xf32, #tpu.memory_space<vmem>>, vector<16xf32>,
        tpu.vector_store %arg13[%swap3A_463], %select_n3A_462 {strides = array<i32>} : memref<10240xf32, #tpu.memory_space<vmem>>, vector<16xf32>,
        %mul3A_465 = arith.constant 128 : i32
        %mul3A_466 = arith.muli %scan3A_25, %mul3A_465 : i32
        %add3A_467 = arith.constant 112 : i32
        %add3A_468 = arith.addi %mul3A_466, %add3A_467 : i32
        %mul3A_469 = arith.constant 128 : i32
        %mul3A_470 = arith.muli %add3A_28, %mul3A_469 : i32
        %add3A_471 = arith.constant 112 : i32
        %add3A_472 = arith.addi %mul3A_470, %add3A_471 : i32
        %get3A_473 = arith.index_cast %add3A_472 : i32 to index
        %get3A_474 = tpu.vector_load %arg10[%get3A_473] {strides = array<i32>} : memref<10240xf32, #tpu.memory_space<vmem>>, vector<16xf32>,
        %get3A_475 = arith.index_cast %add3A_472 : i32 to index
        %get3A_476 = tpu.vector_load %arg12[%get3A_475] {strides = array<i32>} : memref<10240xf32, #tpu.memory_space<vmem>>, vector<16xf32>,
        %add3A_477 = arith.addf %get3A_474, %get3A_476 : vector<16xf32>
        %get3A_478 = arith.index_cast %scan3A_18 : i32 to index
        %get3A_479 = arith.index_cast %add3A_468 : i32 to index
        %get3A_480 = tpu.vector_load %arg9[%get3A_478, %get3A_479] {strides = array<i32>} : memref<20x512xf32, #tpu.memory_space<vmem>>, vector<16xf32>,
        %mul3A_481 = arith.mulf %get3A_480, %add3A_477 : vector<16xf32>
        %abs3A_482 = math.absf %mul3A_481 : vector<16xf32>
        %neg3A_483 = arith.constant 0.000000e+00 : f32
        %neg3A_484 = vector.broadcast %neg3A_483 : f32 to vector<16xf32>
        %neg3A_485 = arith.subf %neg3A_484, %abs3A_482 : vector<16xf32>
        %exp3A_486 = math.exp %neg3A_485 : vector<16xf32>
        %add3A_487 = arith.constant 2.000000e+00 : f32
        %add3A_488 = vector.broadcast %add3A_487 : f32 to vector<16xf32>
        %add3A_489 = arith.addf %add3A_488, %exp3A_486 : vector<16xf32>
        %div3A_490 = arith.divf %exp3A_486, %add3A_489 : vector<16xf32>
        %mul3A_491 = arith.mulf %div3A_490, %div3A_490 : vector<16xf32>
        %mul3A_492 = arith.constant 2.000000e+00 : f32
        %mul3A_493 = vector.broadcast %mul3A_492 : f32 to vector<16xf32>
        %mul3A_494 = arith.mulf %mul3A_493, %div3A_490 : vector<16xf32>
        %mul3A_495 = arith.constant 0.111111112 : f32
        %mul3A_496 = vector.broadcast %mul3A_495 : f32 to vector<16xf32>
        %mul3A_497 = arith.mulf %mul3A_491, %mul3A_496 : vector<16xf32>
        %add3A_498 = arith.constant 0.142857149 : f32
        %add3A_499 = vector.broadcast %add3A_498 : f32 to vector<16xf32>
        %add3A_500 = arith.addf %add3A_499, %mul3A_497 : vector<16xf32>
        %mul3A_501 = arith.mulf %mul3A_491, %add3A_500 : vector<16xf32>
        %add3A_502 = arith.constant 2.000000e-01 : f32
        %add3A_503 = vector.broadcast %add3A_502 : f32 to vector<16xf32>
        %add3A_504 = arith.addf %add3A_503, %mul3A_501 : vector<16xf32>
        %mul3A_505 = arith.mulf %mul3A_491, %add3A_504 : vector<16xf32>
        %add3A_506 = arith.constant 0.333333343 : f32
        %add3A_507 = vector.broadcast %add3A_506 : f32 to vector<16xf32>
        %add3A_508 = arith.addf %add3A_507, %mul3A_505 : vector<16xf32>
        %mul3A_509 = arith.mulf %mul3A_491, %add3A_508 : vector<16xf32>
        %add3A_510 = arith.constant 1.000000e+00 : f32
        %add3A_511 = vector.broadcast %add3A_510 : f32 to vector<16xf32>
        %add3A_512 = arith.addf %add3A_511, %mul3A_509 : vector<16xf32>
        %mul3A_513 = arith.mulf %mul3A_494, %add3A_512 : vector<16xf32>
        %min3A_514 = arith.constant 0.000000e+00 : f32
        %min3A_515 = vector.broadcast %min3A_514 : f32 to vector<16xf32>
        %min3A_516 = arith.minimumf %mul3A_481, %min3A_515 : vector<16xf32>
        %sub3A_517 = arith.subf %min3A_516, %mul3A_513 : vector<16xf32>
        %get3A_518 = arith.index_cast %scan3A_18 : i32 to index
        %get3A_519 = arith.index_cast %add3A_468 : i32 to index
        %get3A_520 = tpu.vector_load %arg8[%get3A_518, %get3A_519] {strides = array<i32>} : memref<20x512xi32, #tpu.memory_space<vmem>>, vector<16xi32>,
        %eq3A_521 = arith.constant 100000 : i32
        %eq3A_522 = vector.broadcast %eq3A_521 : i32 to vector<16xi32>
        %eq3A_523 = arith.cmpi eq, %get3A_520, %eq3A_522 : vector<16xi32>
        %jit3A_524 = arith.constant 0.000000e+00 : f32
        %broadcast_in_dim3A_525 = vector.broadcast %jit3A_524 : f32 to vector<16xf32>
        %select_n3A_526 = arith.select %eq3A_523, %broadcast_in_dim3A_525, %sub3A_517 : vector<16xi1>, vector<16xf32>
        %swap3A_527 = arith.index_cast %add3A_472 : i32 to index
        %swap3A_528 = tpu.vector_load %arg13[%swap3A_527] {strides = array<i32>} : memref<10240xf32, #tpu.memory_space<vmem>>, vector<16xf32>,
        tpu.vector_store %arg13[%swap3A_527], %select_n3A_526 {strides = array<i32>} : memref<10240xf32, #tpu.memory_space<vmem>>, vector<16xf32>,
      }
      %scan3A_24 = arith.constant 4 : i32
    }
    %scan3A_11 = arith.constant 20 : i32
    %scan3A_12 = arith.constant 0 : i32
    %scan3A_13 = arith.constant 0 : i32
    %scan3A_14 = arith.constant 32 : i32
    %scan3A_15 = arith.addi %scan3A_13, %scan3A_14 : i32
    %scan3A_16 = arith.constant 1 : i32
    scf.for %scan3A_18 = %scan3A_13 to %scan3A_15 step %scan3A_16  : i32 {
      %mul3A_19 = arith.constant 16 : i32
      %mul3A_20 = arith.muli %scan3A_18, %mul3A_19 : i32
      %get3A = arith.index_cast %mul3A_20 : i32 to index
      %get3A_21 = tpu.vector_load %arg13[%get3A] {strides = array<i32>} : memref<10240xf32, #tpu.memory_space<vmem>>, vector<16xf32>,
      %mul3A_22 = arith.constant 16 : i32
      %mul3A_23 = arith.muli %scan3A_18, %mul3A_22 : i32
      %add3A_24 = arith.constant 512 : i32
      %add3A_25 = arith.addi %add3A_24, %mul3A_23 : i32
      %get3A_26 = arith.index_cast %add3A_25 : i32 to index
      %get3A_27 = tpu.vector_load %arg13[%get3A_26] {strides = array<i32>} : memref<10240xf32, #tpu.memory_space<vmem>>, vector<16xf32>,
      %add3A_28 = arith.addf %get3A_21, %get3A_27 : vector<16xf32>
      %mul3A_29 = arith.constant 16 : i32
      %mul3A_30 = arith.muli %scan3A_18, %mul3A_29 : i32
      %add3A_31 = arith.constant 1024 : i32
      %add3A_32 = arith.addi %add3A_31, %mul3A_30 : i32
      %get3A_33 = arith.index_cast %add3A_32 : i32 to index
      %get3A_34 = tpu.vector_load %arg13[%get3A_33] {strides = array<i32>} : memref<10240xf32, #tpu.memory_space<vmem>>, vector<16xf32>,
      %add3A_35 = arith.addf %add3A_28, %get3A_34 : vector<16xf32>
      %mul3A_36 = arith.constant 16 : i32
      %mul3A_37 = arith.muli %scan3A_18, %mul3A_36 : i32
      %add3A_38 = arith.constant 1536 : i32
      %add3A_39 = arith.addi %add3A_38, %mul3A_37 : i32
      %get3A_40 = arith.index_cast %add3A_39 : i32 to index
      %get3A_41 = tpu.vector_load %arg13[%get3A_40] {strides = array<i32>} : memref<10240xf32, #tpu.memory_space<vmem>>, vector<16xf32>,
      %add3A_42 = arith.addf %add3A_35, %get3A_41 : vector<16xf32>
      %mul3A_43 = arith.constant 16 : i32
      %mul3A_44 = arith.muli %scan3A_18, %mul3A_43 : i32
      %add3A_45 = arith.constant 2048 : i32
      %add3A_46 = arith.addi %add3A_45, %mul3A_44 : i32
      %get3A_47 = arith.index_cast %add3A_46 : i32 to index
      %get3A_48 = tpu.vector_load %arg13[%get3A_47] {strides = array<i32>} : memref<10240xf32, #tpu.memory_space<vmem>>, vector<16xf32>,
      %add3A_49 = arith.addf %add3A_42, %get3A_48 : vector<16xf32>
      %mul3A_50 = arith.constant 16 : i32
      %mul3A_51 = arith.muli %scan3A_18, %mul3A_50 : i32
      %add3A_52 = arith.constant 2560 : i32
      %add3A_53 = arith.addi %add3A_52, %mul3A_51 : i32
      %get3A_54 = arith.index_cast %add3A_53 : i32 to index
      %get3A_55 = tpu.vector_load %arg13[%get3A_54] {strides = array<i32>} : memref<10240xf32, #tpu.memory_space<vmem>>, vector<16xf32>,
      %add3A_56 = arith.addf %add3A_49, %get3A_55 : vector<16xf32>
      %mul3A_57 = arith.constant 16 : i32
      %mul3A_58 = arith.muli %scan3A_18, %mul3A_57 : i32
      %add3A_59 = arith.constant 3072 : i32
      %add3A_60 = arith.addi %add3A_59, %mul3A_58 : i32
      %get3A_61 = arith.index_cast %add3A_60 : i32 to index
      %get3A_62 = tpu.vector_load %arg13[%get3A_61] {strides = array<i32>} : memref<10240xf32, #tpu.memory_space<vmem>>, vector<16xf32>,
      %add3A_63 = arith.addf %add3A_56, %get3A_62 : vector<16xf32>
      %mul3A_64 = arith.constant 16 : i32
      %mul3A_65 = arith.muli %scan3A_18, %mul3A_64 : i32
      %add3A_66 = arith.constant 3584 : i32
      %add3A_67 = arith.addi %add3A_66, %mul3A_65 : i32
      %get3A_68 = arith.index_cast %add3A_67 : i32 to index
      %get3A_69 = tpu.vector_load %arg13[%get3A_68] {strides = array<i32>} : memref<10240xf32, #tpu.memory_space<vmem>>, vector<16xf32>,
      %add3A_70 = arith.addf %add3A_63, %get3A_69 : vector<16xf32>
      %mul3A_71 = arith.constant 16 : i32
      %mul3A_72 = arith.muli %scan3A_18, %mul3A_71 : i32
      %add3A_73 = arith.constant 4096 : i32
      %add3A_74 = arith.addi %add3A_73, %mul3A_72 : i32
      %get3A_75 = arith.index_cast %add3A_74 : i32 to index
      %get3A_76 = tpu.vector_load %arg13[%get3A_75] {strides = array<i32>} : memref<10240xf32, #tpu.memory_space<vmem>>, vector<16xf32>,
      %add3A_77 = arith.addf %add3A_70, %get3A_76 : vector<16xf32>
      %mul3A_78 = arith.constant 16 : i32
      %mul3A_79 = arith.muli %scan3A_18, %mul3A_78 : i32
      %add3A_80 = arith.constant 4608 : i32
      %add3A_81 = arith.addi %add3A_80, %mul3A_79 : i32
      %get3A_82 = arith.index_cast %add3A_81 : i32 to index
      %get3A_83 = tpu.vector_load %arg13[%get3A_82] {strides = array<i32>} : memref<10240xf32, #tpu.memory_space<vmem>>, vector<16xf32>,
      %add3A_84 = arith.addf %add3A_77, %get3A_83 : vector<16xf32>
      %mul3A_85 = arith.constant 16 : i32
      %mul3A_86 = arith.muli %scan3A_18, %mul3A_85 : i32
      %add3A_87 = arith.constant 5120 : i32
      %add3A_88 = arith.addi %add3A_87, %mul3A_86 : i32
      %get3A_89 = arith.index_cast %add3A_88 : i32 to index
      %get3A_90 = tpu.vector_load %arg13[%get3A_89] {strides = array<i32>} : memref<10240xf32, #tpu.memory_space<vmem>>, vector<16xf32>,
      %add3A_91 = arith.addf %add3A_84, %get3A_90 : vector<16xf32>
      %mul3A_92 = arith.constant 16 : i32
      %mul3A_93 = arith.muli %scan3A_18, %mul3A_92 : i32
      %add3A_94 = arith.constant 5632 : i32
      %add3A_95 = arith.addi %add3A_94, %mul3A_93 : i32
      %get3A_96 = arith.index_cast %add3A_95 : i32 to index
      %get3A_97 = tpu.vector_load %arg13[%get3A_96] {strides = array<i32>} : memref<10240xf32, #tpu.memory_space<vmem>>, vector<16xf32>,
      %add3A_98 = arith.addf %add3A_91, %get3A_97 : vector<16xf32>
      %mul3A_99 = arith.constant 16 : i32
      %mul3A_100 = arith.muli %scan3A_18, %mul3A_99 : i32
      %add3A_101 = arith.constant 6144 : i32
      %add3A_102 = arith.addi %add3A_101, %mul3A_100 : i32
      %get3A_103 = arith.index_cast %add3A_102 : i32 to index
      %get3A_104 = tpu.vector_load %arg13[%get3A_103] {strides = array<i32>} : memref<10240xf32, #tpu.memory_space<vmem>>, vector<16xf32>,
      %add3A_105 = arith.addf %add3A_98, %get3A_104 : vector<16xf32>
      %mul3A_106 = arith.constant 16 : i32
      %mul3A_107 = arith.muli %scan3A_18, %mul3A_106 : i32
      %add3A_108 = arith.constant 6656 : i32
      %add3A_109 = arith.addi %add3A_108, %mul3A_107 : i32
      %get3A_110 = arith.index_cast %add3A_109 : i32 to index
      %get3A_111 = tpu.vector_load %arg13[%get3A_110] {strides = array<i32>} : memref<10240xf32, #tpu.memory_space<vmem>>, vector<16xf32>,
      %add3A_112 = arith.addf %add3A_105, %get3A_111 : vector<16xf32>
      %mul3A_113 = arith.constant 16 : i32
      %mul3A_114 = arith.muli %scan3A_18, %mul3A_113 : i32
      %add3A_115 = arith.constant 7168 : i32
      %add3A_116 = arith.addi %add3A_115, %mul3A_114 : i32
      %get3A_117 = arith.index_cast %add3A_116 : i32 to index
      %get3A_118 = tpu.vector_load %arg13[%get3A_117] {strides = array<i32>} : memref<10240xf32, #tpu.memory_space<vmem>>, vector<16xf32>,
      %add3A_119 = arith.addf %add3A_112, %get3A_118 : vector<16xf32>
      %mul3A_120 = arith.constant 16 : i32
      %mul3A_121 = arith.muli %scan3A_18, %mul3A_120 : i32
      %add3A_122 = arith.constant 7680 : i32
      %add3A_123 = arith.addi %add3A_122, %mul3A_121 : i32
      %get3A_124 = arith.index_cast %add3A_123 : i32 to index
      %get3A_125 = tpu.vector_load %arg13[%get3A_124] {strides = array<i32>} : memref<10240xf32, #tpu.memory_space<vmem>>, vector<16xf32>,
      %add3A_126 = arith.addf %add3A_119, %get3A_125 : vector<16xf32>
      %mul3A_127 = arith.constant 16 : i32
      %mul3A_128 = arith.muli %scan3A_18, %mul3A_127 : i32
      %add3A_129 = arith.constant 8192 : i32
      %add3A_130 = arith.addi %add3A_129, %mul3A_128 : i32
      %get3A_131 = arith.index_cast %add3A_130 : i32 to index
      %get3A_132 = tpu.vector_load %arg13[%get3A_131] {strides = array<i32>} : memref<10240xf32, #tpu.memory_space<vmem>>, vector<16xf32>,
      %add3A_133 = arith.addf %add3A_126, %get3A_132 : vector<16xf32>
      %mul3A_134 = arith.constant 16 : i32
      %mul3A_135 = arith.muli %scan3A_18, %mul3A_134 : i32
      %add3A_136 = arith.constant 8704 : i32
      %add3A_137 = arith.addi %add3A_136, %mul3A_135 : i32
      %get3A_138 = arith.index_cast %add3A_137 : i32 to index
      %get3A_139 = tpu.vector_load %arg13[%get3A_138] {strides = array<i32>} : memref<10240xf32, #tpu.memory_space<vmem>>, vector<16xf32>,
      %add3A_140 = arith.addf %add3A_133, %get3A_139 : vector<16xf32>
      %mul3A_141 = arith.constant 16 : i32
      %mul3A_142 = arith.muli %scan3A_18, %mul3A_141 : i32
      %add3A_143 = arith.constant 9216 : i32
      %add3A_144 = arith.addi %add3A_143, %mul3A_142 : i32
      %get3A_145 = arith.index_cast %add3A_144 : i32 to index
      %get3A_146 = tpu.vector_load %arg13[%get3A_145] {strides = array<i32>} : memref<10240xf32, #tpu.memory_space<vmem>>, vector<16xf32>,
      %add3A_147 = arith.addf %add3A_140, %get3A_146 : vector<16xf32>
      %mul3A_148 = arith.constant 16 : i32
      %mul3A_149 = arith.muli %scan3A_18, %mul3A_148 : i32
      %add3A_150 = arith.constant 9728 : i32
      %add3A_151 = arith.addi %add3A_150, %mul3A_149 : i32
      %get3A_152 = arith.index_cast %add3A_151 : i32 to index
      %get3A_153 = tpu.vector_load %arg13[%get3A_152] {strides = array<i32>} : memref<10240xf32, #tpu.memory_space<vmem>>, vector<16xf32>,
      %add3A_154 = arith.addf %add3A_147, %get3A_153 : vector<16xf32>
      %mul3A_155 = arith.constant 16 : i32
      %mul3A_156 = arith.muli %scan3A_18, %mul3A_155 : i32
      %swap3A = arith.index_cast %mul3A_156 : i32 to index
      %swap3A_157 = tpu.vector_load %arg14[%swap3A] {strides = array<i32>} : memref<512xf32, #tpu.memory_space<vmem>>, vector<16xf32>,
      tpu.vector_store %arg14[%swap3A], %add3A_154 {strides = array<i32>} : memref<512xf32, #tpu.memory_space<vmem>>, vector<16xf32>,
    }
    %scan3A_17 = arith.constant 32 : i32
    "tpu.region"() ({
      %run_scoped3A = tpu.sem_alloc : memref<!tpu.dma_semaphore, #tpu.memory_space<semaphore_mem>>
      %dma_start3A_18 = tpu.memref_slice %arg7[%mul3A_2] : memref<16384xf32, #tpu.memory_space<hbm>> -> memref<512xf32, #tpu.memory_space<hbm>>
      %dma_start3A_19 = tpu.memref_slice %arg7[%mul3A_2] : memref<16384xf32, #tpu.memory_space<hbm>> -> memref<512xf32, #tpu.memory_space<hbm>>
      tpu.enqueue_dma source(%arg14 : memref<512xf32, #tpu.memory_space<vmem>>) target(%dma_start3A_19 : memref<512xf32, #tpu.memory_space<hbm>>) target_semaphore(%run_scoped3A : memref<!tpu.dma_semaphore, #tpu.memory_space<semaphore_mem>>)
      %dma_wait3A_20 = tpu.memref_slice %arg7[%mul3A_2] : memref<16384xf32, #tpu.memory_space<hbm>> -> memref<512xf32, #tpu.memory_space<hbm>>
      %dma_wait3A_21 = tpu.memref_slice %arg7[%mul3A_2] : memref<16384xf32, #tpu.memory_space<hbm>> -> memref<512xf32, #tpu.memory_space<hbm>>
      tpu.wait_dma2 semaphore(%run_scoped3A : memref<!tpu.dma_semaphore, #tpu.memory_space<semaphore_mem>>) src(%arg14 : memref<512xf32, #tpu.memory_space<vmem>>) dst(%dma_wait3A_21 : memref<512xf32, #tpu.memory_space<hbm>>)
      tpu.yield
    }) : () -> ()
    return
  }
}

</mosaic_0001>

<sc_bundles>
// kernel: _sage_sc.4.cloned.1.call-start
scs
__scs_entry_jumppad:
0x0: {  	(pc) =	sbr.rel $0x88, $3  }
0x1: {  	(tag) =	ssettag $0x0;
	lr =	simm.s32 $0x1  }
0x2: {  	[smem:$0x3F99] =	sst lr;
	_ =	strace $0xD0000000  }
0x3: {  	_ = 	snop  }
0x4: {  	_ = 	snop  }
0x5: {  	_ = 	snop  }
0x6: {  	_ = 	snop  }
0x7: {  	_ = 	snop  }
__scs_overlays_trampoline_lowered:
0x8: {  	[smem:$0x3FA8] =	sst s0  }
0x9: {  	[smem:$0x3FA9] =	sst s1  }
0xa: {  	[smem:$0x3FAA] =	sst s2  }
0xb: {  	[smem:$0x3FAB] =	sst s3  }
0xc: {  	[smem:$0x3FAC] =	sst s4  }
0xd: {  	[smem:$0x3FAD] =	sst s5  }
0xe: {  	[smem:$0x3FAE] =	sst s6  }
0xf: {  	[smem:$0x3FAF] =	sst s7  }
0x10: {  	[smem:$0x3FB0] =	sst s8  }
0x11: {  	[smem:$0x3FB1] =	sst s9;
	s0 =	simm.s32 @!p0 $0x0  }
0x12: {  	s1 =	sld [smem:$0x3F97];
	s0 =	simm.s32 @p0 $0x1  }
0x13: {  	[smem:$0x3FB2] =	sst s0;
	s0 =	simm.s32 @!p1 $0x0  }
0x14: {  	s2 =	sld [smem:$0x3F96];
	s0 =	simm.s32 @p1 $0x1  }
0x15: {  	[smem:$0x3FB3] =	sst s0;
	s0 =	simm.s32 @!p2 $0x0  }
0x16: {  	s3 =	sld [smem:$0x3FDB];
	s0 =	simm.s32 @p2 $0x1  }
0x17: {  	s4 =	simm.s32 $0x1BF5;
	[smem:$0x3FB5] =	sst s0  }
0x18: {  	s0 =	sld [smem:$0x3F98];
	_ =	swait.ge [sflag:s4], $0x0  }
0x19: {  	s7 =	sld [smem:$0x3F99]  }
0x1a: {  	s8 =	sadd.s32 $0xFFFFE003, lr  }
0x1b: {  	s9 =	sadd.s32 $0xFFFFFEF7, lr;
	s5 =	simm.s32 $0xFFFFFFFF;
	p2 =	slt.u32 s8, $0xFFFFF086  }
0x1c: {  	p1 =	slt.u32 s9, $0xF7A;
	s5 =	simm.s32 @!p2 $0x0  }
0x1d: {  	s5 =	simm.s32 @p1 $0x1;
	p0 =	seq.s32 s7, s2  }
0x1e: {  	s7 =	smul.u32 @!p0 $0xF7A, s2;
	p2 =	seq.s32 @!p0 s5, $0x0  }
0x1f: {  	s9 =	smul.u32 $0xF7A, s1;
	s8 =	simm.s32 @!p0 $0x1BF5;
	p2 =	por !p2, p0  }
0x20: {  	[sflag:s8] =	ssyncset.s32 @!p0 $0xFFFFF086;
	s6 =	sadd.s32 @!p0 s3, s7;
	s7 =	simm.s32 @!p0 $0x108  }
0x21: {  	s3 =	sadd.s32 s3, s9;
	s6 =	sadd.s32 @!p0 $0x88, s6;
	s7 =	simm.s32 @p2 $0x1082  }
0x22: {  	[simem:s7], [sflag:s8] =	dma.local @!p0 [hbm:s6], $0xF7A  }
0x23: {  	s9 =	sor.u32 $0xD0000000, s2;
	s6 =	simm.s32 $0x108;
	_ =	swait.ge @!p0 [sflag:s8], $0x0  }
0x24: {  	s3 =	sadd.s32 $0x88, s3;
	s6 =	simm.s32 @!p1 $0x1082;
	[sflag:s4] =	ssyncset.s32 $0xFFFFF086  }
0x25: {  	[simem:s6], [sflag:s4] =	dma.local [hbm:s3], $0xF7A  }
0x26: {  	[smem:$0x3F99] =	sst s1;
	(tag) =	ssettag s2;
	_ =	strace s9  }
0x27: {  	s1 =	sld [smem:$0x3FA9]  }
0x28: {  	s2 =	sld [smem:$0x3FAA]  }
0x29: {  	s4 =	sld [smem:$0x3FAC]  }
0x2a: {  	p0 =	seq.s32 s5, $0x0;
	s5 =	sld [smem:$0x3FAD]  }
0x2b: {  	s6 =	sld [smem:$0x3FAE]  }
0x2c: {  	s7 =	sld [smem:$0x3FAF]  }
0x2d: {  	s3 =	simm.s32 $0x108;
	s8 =	sld [smem:$0x3FB0]  }
0x2e: {  	s3 =	simm.s32 @!p0 $0x1082;
	s9 =	sld [smem:$0x3FB1]  }
0x2f: {  	lr =	sadd.s32 s0, s3;
	s0 =	sld [smem:$0x3FA8]  }
0x30: {  	s3 =	sld [smem:$0x3FAB]  }
0x31: {  	[smem:$0x3FB4] =	sst s10  }
0x32: {  	s10 =	sld [smem:$0x3FB2];
	_ =	sdelay $0x3  }
0x33: {  	p0 =	seq.s32 s10, $0x1;
	s10 =	sld [smem:$0x3FB4];
	_ =	sdelay $0x3  }
0x34: {  	[smem:$0x3FB4] =	sst s10  }
0x35: {  	s10 =	sld [smem:$0x3FB3];
	_ =	sdelay $0x3  }
0x36: {  	p1 =	seq.s32 s10, $0x1;
	s10 =	sld [smem:$0x3FB4];
	_ =	sdelay $0x3  }
0x37: {  	[smem:$0x3FB4] =	sst s10  }
0x38: {  	s10 =	sld [smem:$0x3FB5]  }
0x39: {  	_ = 	snop;
	(pc) =	sbr.ind lr, $3  }
0x3a: {  	_ = 	snop  }
0x3b: {  	_ = 	snop  }
0x3c: {  	p2 =	seq.s32 s10, $0x1;
	s10 =	sld [smem:$0x3FB4]  }
0x3d: {  	_ =	shalt  }
0x3e: {  	_ =	shalt  }
0x3f: {  	_ =	shalt  }
0x40: {  	_ =	shalt  }
0x41: {  	_ =	shalt  }
0x42: {  	_ =	shalt  }
0x43: {  	_ =	shalt  }
0x44: {  	_ =	shalt  }
0x45: {  	_ =	shalt  }
0x46: {  	_ =	shalt  }
0x47: {  	_ =	shalt  }
0x48: {  	_ =	shalt  }
0x49: {  	_ =	shalt  }
0x4a: {  	_ =	shalt  }
0x4b: {  	_ =	shalt  }
0x4c: {  	_ =	shalt  }
0x4d: {  	_ =	shalt  }
0x4e: {  	_ =	shalt  }
0x4f: {  	_ =	shalt  }
0x50: {  	_ =	shalt  }
0x51: {  	_ =	shalt  }
0x52: {  	_ =	shalt  }
0x53: {  	_ =	shalt  }
0x54: {  	_ =	shalt  }
0x55: {  	_ =	shalt  }
0x56: {  	_ =	shalt  }
0x57: {  	_ =	shalt  }
0x58: {  	_ =	shalt  }
0x59: {  	_ =	shalt  }
0x5a: {  	_ =	shalt  }
0x5b: {  	_ =	shalt  }
0x5c: {  	_ =	shalt  }
0x5d: {  	_ =	shalt  }
0x5e: {  	_ =	shalt  }
0x5f: {  	_ =	shalt  }
0x60: {  	_ =	shalt  }
0x61: {  	_ =	shalt  }
0x62: {  	_ =	shalt  }
0x63: {  	_ =	shalt  }
0x64: {  	_ =	shalt  }
0x65: {  	_ =	shalt  }
0x66: {  	_ =	shalt  }
0x67: {  	_ =	shalt  }
0x68: {  	_ =	shalt  }
0x69: {  	_ =	shalt  }
0x6a: {  	_ =	shalt  }
0x6b: {  	_ =	shalt  }
0x6c: {  	_ =	shalt  }
0x6d: {  	_ =	shalt  }
0x6e: {  	_ =	shalt  }
0x6f: {  	_ =	shalt  }
0x70: {  	_ =	shalt  }
0x71: {  	_ =	shalt  }
0x72: {  	_ =	shalt  }
0x73: {  	_ =	shalt  }
0x74: {  	_ =	shalt  }
0x75: {  	_ =	shalt  }
0x76: {  	_ =	shalt  }
0x77: {  	_ =	shalt  }
0x78: {  	_ =	shalt  }
0x79: {  	_ =	shalt  }
0x7a: {  	_ =	shalt  }
0x7b: {  	_ =	shalt  }
0x7c: {  	_ =	shalt  }
0x7d: {  	_ =	shalt  }
0x7e: {  	_ =	shalt  }
0x7f: {  	_ =	shalt  }
0x80: {  	_ =	shalt  }
0x81: {  	_ =	shalt  }
0x82: {  	_ =	shalt  }
0x83: {  	_ =	shalt  }
0x84: {  	_ =	shalt  }
0x85: {  	_ =	shalt  }
0x86: {  	_ =	shalt  }
0x87: {  	_ =	shalt  }
.Lfunc_end0:
.L_simem_size_0:
called_computation_lowered:
.L_overlay_start_0:
0x88: {  	s2 =	sld [smem:$0x3FD9]  }
0x89: {  	s3 =	sld [smem:$0x3FFE];
	_ =	sdelay $0x1  }
0x8a: {  	s1 =	srdreg.scid  }
0x8b: {  	s0 =	sand.u32 $0x1, s1  }
0x8c: {  	s17 =	sshll.u32 s0, $0xA;
	s2 =	sadd.s32 s3, s2  }
0x8d: {  	s2 =	sadd.s32 s2, s17  }
0x8e: {  	[smem:$0x3FC0] =	sst s2  }
0x8f: {  	_ = 	snop  }
0x90: {  	s2 =	sld [smem:$0x3FC9]  }
0x91: {  	s18 =	sld [smem:$0x3FC8]  }
0x92: {  	s4 =	sld [smem:$0x3FC7]  }
0x93: {  	s5 =	sld [smem:$0x3FC6]  }
0x94: {  	s6 =	sld [smem:$0x3FC4]  }
0x95: {  	s7 =	sld [smem:$0x3FC3];
	(tm) =	ssettm $0x1  }
0x96: {  	s8 =	sld [smem:$0x3FFB];
	_ =	sdelay $0x3  }
0x97: {  	_ =	strace s8  }
0x98: {  	s8 =	sld [smem:$0x3FFC];
	_ =	sdelay $0x3  }
0x99: {  	_ =	strace s8  }
0x9a: {  	s8 =	sld [smem:$0x3FFD];
	_ =	sdelay $0x3  }
0x9b: {  	_ =	strace s8  }
0x9c: {  	_ =	strace $0x8FFFFFFF  }
0x9d: {  	s19 =	sld [smem:$0x3FDB];
	_ =	sdelay $0x1  }
0x9e: {  	s9 =	simm.s32 $_scs_section_size  }
0x9f: {  	s10 =	simm.s32 $_size__tile_overlayer_lowered;
	s11 =	simm.s32 $_tile_overlayer_lowered  }
0xa0: {  	s22 =	simm.s32 $0x1BFF;
	s21 =	sshll.u32 s11, $0x1;
	s8 =	sadd.s32 s9, s19  }
0xa1: {  	s12 =	simm.s32 $0x0;
	s20 =	sshll.u32 s10, $0x1;
	s10 =	sadd.s32 s21, s8  }
0xa2: {  	[timem:s12], [sflag:s22] =	dma.local [hbm:s10], s20  }
0xa3: {  	_ =	swait.ge [sflag:s22], s20  }
0xa4: {  	s9 =	ssub.s32 $0x0, s20;
	[sflag:s22] =	ssyncset.done $0x0  }
0xa5: {  	[sflag:s22] =	ssyncadd.s32 s9;
	_ =	sdelay $0x1  }
0xa6: {  	s23 =	simm.s32 $0x1B8B  }
0xa7: {  	_ =	swait.ge [sflag:s23], $0x1  }
0xa8: {  	[sflag:s23] =	ssyncset.done $0x0  }
0xa9: {  	s25 =	simm.s32 $0x1B8E;
	s24 =	sld [smem:$0x3FFE];
	[sflag:s23] =	ssyncadd.s32 $0xFFFFFFFF  }
0xaa: {  	s26 =	simm.s32 $execute0_lowered;
	[smem:$0x3FD2] =	sst s25  }
0xab: {  	s10 =	sshll.u32 s26, $0x1;
	_ =	strace $0x80000046;
	[dreg:$0x1] =	wrdreg $0xFFFFFFFF  }
0xac: {  	s28 =	simm.s32 $_size_execute0_lowered;
	s8 =	sadd.s32 s8, s10;
	[dreg:$0x0] =	wrdreg $0x0  }
0xad: {  	s10 =	sshll.u32 s28, $0x1;
	[dreg:$0x2] =	wrdreg s8  }
0xae: {  	[dreg:$0x3] =	wrdreg s10  }
0xaf: {  	[dreg:$0x4] =	wrdreg $0xC0  }
0xb0: {  	_ =	task [dreg:s12], $0x5FFFF  }
0xb1: {  	[dreg:$0x1] =	wrdreg $0xFFFFFFFF  }
0xb2: {  	[dreg:$0x0] =	wrdreg $0x60  }
0xb3: {  	[dreg:$0x2] =	wrdreg s2  }
0xb4: {  	[dreg:$0x3] =	wrdreg s18  }
0xb5: {  	[dreg:$0x4] =	wrdreg s4  }
0xb6: {  	[dreg:$0x5] =	wrdreg s5  }
0xb7: {  	[dreg:$0x6] =	wrdreg s6  }
0xb8: {  	[dreg:$0x7] =	wrdreg s7  }
0xb9: {  	[dreg:$0x8] =	wrdreg s24  }
0xba: {  	[dreg:$0x9] =	wrdreg $0x9  }
0xbb: {  	_ =	task.clear_ibuf [dreg:s12], $0xAFFFF;
	_ =	strace $0x90000046  }
0xbc: {  	s29 =	simm.s32 $0x9;
	_ =	strace $0x80000048  }
0xbd: {  	_ =	swait.ge [sflag:s29], $0x1  }
0xbe: {  	[sflag:s29] =	ssyncadd.s32 $0xFFFFFFFF  }
0xbf: {  	_ =	strace $0x90000048  }
0xc0: {  	_ =	sfence  }
0xc1: {  	s30 =	sld [smem:$0x0];
	_ =	sdelay $0x2  }
0xc2: {  	s31 =	sshll.u32 s1, $0xD;
	s1 =	sshrl.u32 s1, $0x2  }
0xc3: {  	s3 =	sand.u32 $0x4000, s31;
	s1 =	sadd.s32 s1, s30  }
0xc4: {  	s0 =	sor.u32 s3, s0;
	s1 =	sshll.u32 s1, $0x11  }
0xc5: {  	s0 =	sor.u32 s1, s0  }
0xc6: {  	s0 =	sadd.s32 $0x8F2B, s0  }
0xc7: {  	[sflag:s0] =	ssyncadd.remote.s32 $0x1  }
0xc8: {  	_ =	sfence.sel $0xFFFF  }
0xc9: {  	[dreg:$0x0] =	wrdreg $0xFFFFFFFF;
	(pc) =	sbr.abs _section_cstart, $3  }
0xca: {  	[dreg:$0x1] =	wrdreg $0xFFFFFFFF  }
0xcb: {  	_ =	task.clear_ibuf [dreg:s12], $0x2FFFF;
	_ =	strace $0x9FFFFFFF  }
0xcc: {  	(tm) =	ssettm $0x7FFFFFFF  }
0xcd: {  	_ =	shalt  }
tec
execute0_lowered:
.L_overlay_start_1:
0x0: {  	(tag) =	ssettag $0x1  }
0x1: {  	s0 =	rddreg [dreg:$0x0]  }
0x2: {  	s1 =	rddreg [dreg:$0x1]  }
0x3: {  	s2 =	rddreg [dreg:$0x2]  }
0x4: {  	s3 =	rddreg [dreg:$0x3];
	s4 =	srdreg.scid  }
0x5: {  	s7 =	stileid.u32;
	s5 =	rddreg [dreg:$0x6];
	s12 =	simm.s32 $0x3  }
0x6: {  	s14 =	simm.s32 $0x400;
	s15 =	simm.s32 $0x1000;
	s16 =	simm.s32 $0x20000  }
0x7: {  	s17 =	simm.s32 $0x600;
	s18 =	simm.s32 $0x2800;
	s19 =	simm.s32 $0x3C00  }
0x8: {  	s20 =	simm.s32 $0xB400;
	s21 =	simm.s32 $0x6400;
	s22 =	simm.s32 $0xDC00  }
0x9: {  	s23 =	simm.s32 $0x8C00;
	s24 =	simm.s32 $0x1;
	s25 =	simm.s32 $0x2  }
0xa: {  	s6 =	sand.u32 $0x1, s4;
	s7 =	sshll.u32 s7, $0x1;
	s4 =	simm.s32 $0x0  }
0xb: {  	s26 =	simm.s32 $0x0;
	s7 =	sor.u32 s6, s7;
	[smem:$0x7FF] =	sst s4  }
0xc: {  	s6 =	ssub.s32 $0x2, s6;
	s8 =	smul.u32 $0x500, s7;
	_ =	strace $0x80000047  }
0xd: {  	s30 =	sshrl.u32 s6, $0x1;
	s31 =	sshll.u32 s7, $0x6;
	s9 =	sshll.u32 s7, $0x9  }
0xe: {  	s11 =	ssub.s32 s6, s30;
	s6 =	sadd.s32 s1, s31;
	s7 =	sadd.s32 s2, s31  }
0xf: {  	s10 =	sadd.s32 s8, s5;
	s5 =	sadd.s32 s0, s31;
	s8 =	sadd.s32 s3, s9  }
0x10: {  	s11 =	smax.u32 s11, $0x1;
	s9 =	sadd.s32 $0xAC00, s10;
	s10 =	sadd.s32 $0xC00, s10  }
.LBB2_1:
0x11: {  	[tilespmem:s4], [sflag:$0x3] =	stream.linear.gather [hbm4b:s5+s4], $0x200, $0x38;
	[tilespmem:$0x10400] =	vst v63  }
0x12: {  	_ =	swait.ge [sflag:s12], $0x200  }
0x13: {  	[sflag:s12] =	ssyncset.done $0x0  }
0x14: {  	s0 =	simm.s32 $0x200;
	[sflag:s12] =	ssyncadd.s32 $0xFFFFFE00  }
0x15: {  	[tilespmem:s0], [sflag:$0x3] =	stream.linear.gather [hbm4b:s6+s4], $0x200, $0x38;
	[tilespmem:$0x10400] =	vst v63  }
0x16: {  	_ =	swait.ge [sflag:s12], $0x200  }
0x17: {  	[sflag:s12] =	ssyncset.done $0x0  }
0x18: {  	[sflag:s12] =	ssyncadd.s32 $0xFFFFFE00  }
0x19: {  	[tilespmem:s14], [sflag:$0x3] =	stream.linear.gather [hbm4b:s7+s4], $0x200, $0x38;
	[tilespmem:$0x10400] =	vst v63  }
0x1a: {  	_ =	swait.ge [sflag:s12], $0x200  }
0x1b: {  	[sflag:s12] =	ssyncset.done $0x0  }
0x1c: {  	[sflag:s12] =	ssyncadd.s32 $0xFFFFFE00  }
0x1d: {  	[tilespmem:s17], [sflag:$0x3] =	stream.strided.gather [hbm4b:s8+s15], $0x3000, s16, s15, $0x38;
	[tilespmem:$0x10400] =	vst v63  }
0x1e: {  	_ =	swait.ge [sflag:s12], $0x3000  }
0x1f: {  	[sflag:s12] =	ssyncset.done $0x0  }
0x20: {  	s0 =	simm.s32 $0x0;
	[sflag:s12] =	ssyncadd.s32 $0xFFFFD000  }
0x21: {  	v0 =	vld [tilespmem:s0+$0x200]  }
0x22: {  	v1 =	vld [tilespmem:s0+$0x400]  }
0x23: {  	v2 =	vld [tilespmem:s0+$0x0];
	_ =	sdelay $0x1  }
0x24: {  	s1 =	simm.s32 $0x40  }
.LBB2_2:
0x25: {  	s2 =	sshra.s32 s1, $0x2;
	p0 =	sne.s32 s1, $0x7C0;
	s1 =	sadd.s32 $0x40, s1;
	v3 =	vmul.u32 $0xC3800, v0  }
.Ltmp0:
0x26: {  	v0 =	vld [tilespmem:s2+$0x200];
	v4 =	vshll.u32 v1, $0x7;
	(pc) =	sbr.rel @p0 .LBB2_2-.Ltmp0, $4  }
0x27: {  	v1 =	vld [tilespmem:s2+$0x400];
	[tilespmem:s0+$0x3600] =	vst v4;
	v5 =	vmul.u32 $0xC3800, v2;
	v3 =	vadd.s32 v4, v3  }
0x28: {  	v2 =	vld [tilespmem:s2+$0x0];
	[tilespmem:s0+$0x3A00] =	vst v3  }
0x29: {  	v3 =	vadd.s32 v4, v5  }
0x2a: {  	[tilespmem:s0+$0x3800] =	vst v3;
	s0 =	smov.u32 s2  }
0x2b: {  	_ = 	snop  }
0x2c: {  	v0 =	vmul.u32 $0xC3800, v0  }
0x2d: {  	v1 =	vshll.u32 v1, $0x7;
	v2 =	vmul.u32 $0xC3800, v2  }
0x2e: {  	[tilespmem:s0+$0x3600] =	vst v1;
	v0 =	vadd.s32 v1, v0  }
0x2f: {  	s28 =	simm.s32 $0x3C00;
	s29 =	simm.s32 $0x6400;
	s30 =	simm.s32 $0x8C00;
	[tilespmem:s0+$0x3A00] =	vst v0;
	v63 =	vadd.s32 v1, v2  }
0x30: {  	s31 =	simm.s32 $0x0;
	s2 =	simm.s32 $0x0;
	[tilespmem:s0+$0x3800] =	vst v63;
	s0 =	simm.s32 $0x0  }
.LBB2_4:
0x31: {  	s1 =	sshll.u32 s2, $0x2;
	s3 =	sand.u32 $0x7, s31  }
0x32: {  	s1 =	sand.u32 $0xFFFFC000, s1;
	s3 =	sshll.u32 s3, $0x9  }
0x33: {  	s1 =	sor.u32 s3, s1  }
0x34: {  	s1 =	sshrl.u32 s1, $0x2  }
0x35: {  	s1 =	sadd.s32 $0x640, s1  }
0x36: {  	v1 =	vld [tilespmem:s1+$0xFFFFFFC0];
	_ =	sdelay $0x2  }
0x37: {  	s3 =	simm.s32 $0x0  }
0x38: {  	v2 =	vld [tilespmem:s3+$0x3600]  }
0x39: {  	v0 =	vmov s28;
	v3 =	vshrl.u32 v1, $0x7  }
0x3a: {  	v3 =	vmul.u32 $0x380, v3;
	_ =	sdelay $0x1  }
0x3b: {  	v3 =	vadd.s32 v1, v3  }
0x3c: {  	v1 =	vadd.s32 v2, v3  }
0x3d: {  	[tilespmem:v0+s3+$0x0 ss:$0x1] =	vst.idx.msk $0xffff, v1  }
0x3e: {  	v1 =	vld [tilespmem:s3+$0x3800]  }
0x3f: {  	v2 =	vmov s29;
	_ =	sdelay $0x3  }
0x40: {  	v1 =	vadd.s32 v3, v1  }
0x41: {  	[tilespmem:v2+s3+$0x0 ss:$0x1] =	vst.idx.msk $0xffff, v1  }
0x42: {  	v4 =	vld [tilespmem:s3+$0x3A00]  }
0x43: {  	v1 =	vmov s30;
	_ =	sdelay $0x3  }
0x44: {  	v3 =	vadd.s32 v3, v4  }
0x45: {  	[tilespmem:v1+s3+$0x0 ss:$0x1] =	vst.idx.msk $0xffff, v3  }
0x46: {  	v3 =	vld [tilespmem:s1+$0xFFFFFFD0];
	_ =	sdelay $0x3  }
0x47: {  	v4 =	vld [tilespmem:s3+$0x3610]  }
0x48: {  	v5 =	vshrl.u32 v3, $0x7  }
0x49: {  	v5 =	vmul.u32 $0x380, v5;
	_ =	sdelay $0x1  }
0x4a: {  	v3 =	vadd.s32 v3, v5  }
0x4b: {  	v4 =	vadd.s32 v4, v3  }
0x4c: {  	[tilespmem:v0+s3+$0x10 ss:$0x1] =	vst.idx.msk $0xffff, v4  }
0x4d: {  	v4 =	vld [tilespmem:s3+$0x3810];
	_ =	sdelay $0x4  }
0x4e: {  	v4 =	vadd.s32 v3, v4  }
0x4f: {  	[tilespmem:v2+s3+$0x10 ss:$0x1] =	vst.idx.msk $0xffff, v4  }
0x50: {  	v4 =	vld [tilespmem:s3+$0x3A10];
	_ =	sdelay $0x4  }
0x51: {  	v3 =	vadd.s32 v3, v4  }
0x52: {  	[tilespmem:v1+s3+$0x10 ss:$0x1] =	vst.idx.msk $0xffff, v3  }
0x53: {  	v3 =	vld [tilespmem:s1+$0xFFFFFFE0];
	_ =	sdelay $0x3  }
0x54: {  	v4 =	vld [tilespmem:s3+$0x3620]  }
0x55: {  	v5 =	vshrl.u32 v3, $0x7  }
0x56: {  	v5 =	vmul.u32 $0x380, v5;
	_ =	sdelay $0x1  }
0x57: {  	v3 =	vadd.s32 v3, v5  }
0x58: {  	v4 =	vadd.s32 v4, v3  }
0x59: {  	[tilespmem:v0+s3+$0x20 ss:$0x1] =	vst.idx.msk $0xffff, v4  }
0x5a: {  	v4 =	vld [tilespmem:s3+$0x3820];
	_ =	sdelay $0x4  }
0x5b: {  	v4 =	vadd.s32 v3, v4  }
0x5c: {  	[tilespmem:v2+s3+$0x20 ss:$0x1] =	vst.idx.msk $0xffff, v4  }
0x5d: {  	v4 =	vld [tilespmem:s3+$0x3A20];
	_ =	sdelay $0x4  }
0x5e: {  	v3 =	vadd.s32 v3, v4  }
0x5f: {  	[tilespmem:v1+s3+$0x20 ss:$0x1] =	vst.idx.msk $0xffff, v3  }
0x60: {  	v3 =	vld [tilespmem:s1+$0xFFFFFFF0];
	_ =	sdelay $0x3  }
0x61: {  	v4 =	vld [tilespmem:s3+$0x3630]  }
0x62: {  	v5 =	vshrl.u32 v3, $0x7  }
0x63: {  	v5 =	vmul.u32 $0x380, v5;
	_ =	sdelay $0x1  }
0x64: {  	v3 =	vadd.s32 v3, v5  }
0x65: {  	v4 =	vadd.s32 v4, v3  }
0x66: {  	[tilespmem:v0+s3+$0x30 ss:$0x1] =	vst.idx.msk $0xffff, v4  }
0x67: {  	v4 =	vld [tilespmem:s3+$0x3830];
	_ =	sdelay $0x4  }
0x68: {  	v4 =	vadd.s32 v3, v4  }
0x69: {  	[tilespmem:v2+s3+$0x30 ss:$0x1] =	vst.idx.msk $0xffff, v4  }
0x6a: {  	v4 =	vld [tilespmem:s3+$0x3A30];
	_ =	sdelay $0x4  }
0x6b: {  	v3 =	vadd.s32 v3, v4  }
0x6c: {  	[tilespmem:v1+s3+$0x30 ss:$0x1] =	vst.idx.msk $0xffff, v3  }
0x6d: {  	v3 =	vld [tilespmem:s1+$0x0];
	_ =	sdelay $0x3  }
0x6e: {  	v4 =	vld [tilespmem:s3+$0x3640]  }
0x6f: {  	v5 =	vshrl.u32 v3, $0x7  }
0x70: {  	v5 =	vmul.u32 $0x380, v5;
	_ =	sdelay $0x1  }
0x71: {  	v3 =	vadd.s32 v3, v5  }
0x72: {  	v4 =	vadd.s32 v4, v3  }
0x73: {  	[tilespmem:v0+s3+$0x40 ss:$0x1] =	vst.idx.msk $0xffff, v4  }
0x74: {  	v4 =	vld [tilespmem:s3+$0x3840];
	_ =	sdelay $0x4  }
0x75: {  	v4 =	vadd.s32 v3, v4  }
0x76: {  	[tilespmem:v2+s3+$0x40 ss:$0x1] =	vst.idx.msk $0xffff, v4  }
0x77: {  	v4 =	vld [tilespmem:s3+$0x3A40];
	_ =	sdelay $0x4  }
0x78: {  	v3 =	vadd.s32 v3, v4  }
0x79: {  	[tilespmem:v1+s3+$0x40 ss:$0x1] =	vst.idx.msk $0xffff, v3  }
0x7a: {  	v3 =	vld [tilespmem:s1+$0x10];
	_ =	sdelay $0x3  }
0x7b: {  	v4 =	vld [tilespmem:s3+$0x3650]  }
0x7c: {  	v5 =	vshrl.u32 v3, $0x7  }
0x7d: {  	v5 =	vmul.u32 $0x380, v5;
	_ =	sdelay $0x1  }
0x7e: {  	v3 =	vadd.s32 v3, v5  }
0x7f: {  	v4 =	vadd.s32 v4, v3  }
0x80: {  	[tilespmem:v0+s3+$0x50 ss:$0x1] =	vst.idx.msk $0xffff, v4  }
0x81: {  	v4 =	vld [tilespmem:s3+$0x3850];
	_ =	sdelay $0x4  }
0x82: {  	v4 =	vadd.s32 v3, v4  }
0x83: {  	[tilespmem:v2+s3+$0x50 ss:$0x1] =	vst.idx.msk $0xffff, v4  }
0x84: {  	v4 =	vld [tilespmem:s3+$0x3A50];
	_ =	sdelay $0x4  }
0x85: {  	v3 =	vadd.s32 v3, v4  }
0x86: {  	[tilespmem:v1+s3+$0x50 ss:$0x1] =	vst.idx.msk $0xffff, v3  }
0x87: {  	v3 =	vld [tilespmem:s1+$0x20];
	_ =	sdelay $0x3  }
0x88: {  	v4 =	vld [tilespmem:s3+$0x3660]  }
0x89: {  	v5 =	vshrl.u32 v3, $0x7  }
0x8a: {  	v5 =	vmul.u32 $0x380, v5;
	_ =	sdelay $0x1  }
0x8b: {  	v3 =	vadd.s32 v3, v5  }
0x8c: {  	v4 =	vadd.s32 v4, v3  }
0x8d: {  	[tilespmem:v0+s3+$0x60 ss:$0x1] =	vst.idx.msk $0xffff, v4  }
0x8e: {  	v4 =	vld [tilespmem:s3+$0x3860];
	_ =	sdelay $0x4  }
0x8f: {  	v4 =	vadd.s32 v3, v4  }
0x90: {  	[tilespmem:v2+s3+$0x60 ss:$0x1] =	vst.idx.msk $0xffff, v4  }
0x91: {  	v4 =	vld [tilespmem:s3+$0x3A60];
	_ =	sdelay $0x4  }
0x92: {  	v3 =	vadd.s32 v3, v4  }
0x93: {  	[tilespmem:v1+s3+$0x60 ss:$0x1] =	vst.idx.msk $0xffff, v3  }
0x94: {  	v3 =	vld [tilespmem:s1+$0x30];
	_ =	sdelay $0x3  }
0x95: {  	v4 =	vld [tilespmem:s3+$0x3670]  }
0x96: {  	v5 =	vshrl.u32 v3, $0x7  }
0x97: {  	v5 =	vmul.u32 $0x380, v5;
	_ =	sdelay $0x1  }
0x98: {  	v3 =	vadd.s32 v3, v5  }
0x99: {  	v4 =	vadd.s32 v4, v3  }
0x9a: {  	[tilespmem:v0+s3+$0x70 ss:$0x1] =	vst.idx.msk $0xffff, v4  }
0x9b: {  	v4 =	vld [tilespmem:s3+$0x3870];
	_ =	sdelay $0x4  }
0x9c: {  	v4 =	vadd.s32 v3, v4  }
0x9d: {  	[tilespmem:v2+s3+$0x70 ss:$0x1] =	vst.idx.msk $0xffff, v4  }
0x9e: {  	v4 =	vld [tilespmem:s3+$0x3A70];
	_ =	sdelay $0x4  }
0x9f: {  	s13 =	simm.s32 $0x200;
	v3 =	vadd.s32 v3, v4  }
.LBB2_5:
0xa0: {  	p0 =	sne.s32 s13, $0x600  }
0xa1: {  	[tilespmem:v1+s3+$0x70 ss:$0x1] =	vst.idx.msk $0xffff, v3;
	s1 =	sadd.s32 $0x400, s1;
	s3 =	smov.u32 s13;
	s13 =	sadd.s32 $0x200, s13  }
0xa2: {  	v3 =	vld [tilespmem:s1+$0xFFFFFFC0];
	_ =	sdelay $0x2  }
0xa3: {  	s3 =	sshra.s32 s3, $0x2  }
0xa4: {  	v4 =	vld [tilespmem:s3+$0x3600]  }
0xa5: {  	v5 =	vshrl.u32 v3, $0x7  }
0xa6: {  	v5 =	vmul.u32 $0x380, v5;
	_ =	sdelay $0x1  }
0xa7: {  	v3 =	vadd.s32 v3, v5  }
0xa8: {  	v4 =	vadd.s32 v4, v3  }
0xa9: {  	[tilespmem:v0+s3+$0x0 ss:$0x1] =	vst.idx.msk $0xffff, v4  }
0xaa: {  	v4 =	vld [tilespmem:s3+$0x3800];
	_ =	sdelay $0x4  }
0xab: {  	v4 =	vadd.s32 v3, v4  }
0xac: {  	[tilespmem:v2+s3+$0x0 ss:$0x1] =	vst.idx.msk $0xffff, v4  }
0xad: {  	v4 =	vld [tilespmem:s3+$0x3A00];
	_ =	sdelay $0x4  }
0xae: {  	v3 =	vadd.s32 v3, v4  }
0xaf: {  	[tilespmem:v1+s3+$0x0 ss:$0x1] =	vst.idx.msk $0xffff, v3  }
0xb0: {  	v3 =	vld [tilespmem:s1+$0xFFFFFFD0];
	_ =	sdelay $0x3  }
0xb1: {  	v4 =	vld [tilespmem:s3+$0x3610]  }
0xb2: {  	v5 =	vshrl.u32 v3, $0x7  }
0xb3: {  	v5 =	vmul.u32 $0x380, v5;
	_ =	sdelay $0x1  }
0xb4: {  	v3 =	vadd.s32 v3, v5  }
0xb5: {  	v4 =	vadd.s32 v4, v3  }
0xb6: {  	[tilespmem:v0+s3+$0x10 ss:$0x1] =	vst.idx.msk $0xffff, v4  }
0xb7: {  	v4 =	vld [tilespmem:s3+$0x3810];
	_ =	sdelay $0x4  }
0xb8: {  	v4 =	vadd.s32 v3, v4  }
0xb9: {  	[tilespmem:v2+s3+$0x10 ss:$0x1] =	vst.idx.msk $0xffff, v4  }
0xba: {  	v4 =	vld [tilespmem:s3+$0x3A10];
	_ =	sdelay $0x4  }
0xbb: {  	v3 =	vadd.s32 v3, v4  }
0xbc: {  	[tilespmem:v1+s3+$0x10 ss:$0x1] =	vst.idx.msk $0xffff, v3  }
0xbd: {  	v3 =	vld [tilespmem:s1+$0xFFFFFFE0];
	_ =	sdelay $0x3  }
0xbe: {  	v4 =	vld [tilespmem:s3+$0x3620]  }
0xbf: {  	v5 =	vshrl.u32 v3, $0x7  }
0xc0: {  	v5 =	vmul.u32 $0x380, v5;
	_ =	sdelay $0x1  }
0xc1: {  	v3 =	vadd.s32 v3, v5  }
0xc2: {  	v4 =	vadd.s32 v4, v3  }
0xc3: {  	[tilespmem:v0+s3+$0x20 ss:$0x1] =	vst.idx.msk $0xffff, v4  }
0xc4: {  	v4 =	vld [tilespmem:s3+$0x3820];
	_ =	sdelay $0x4  }
0xc5: {  	v4 =	vadd.s32 v3, v4  }
0xc6: {  	[tilespmem:v2+s3+$0x20 ss:$0x1] =	vst.idx.msk $0xffff, v4  }
0xc7: {  	v4 =	vld [tilespmem:s3+$0x3A20];
	_ =	sdelay $0x4  }
0xc8: {  	v3 =	vadd.s32 v3, v4  }
0xc9: {  	[tilespmem:v1+s3+$0x20 ss:$0x1] =	vst.idx.msk $0xffff, v3  }
0xca: {  	v3 =	vld [tilespmem:s1+$0xFFFFFFF0];
	_ =	sdelay $0x3  }
0xcb: {  	v4 =	vld [tilespmem:s3+$0x3630]  }
0xcc: {  	v5 =	vshrl.u32 v3, $0x7  }
0xcd: {  	v5 =	vmul.u32 $0x380, v5;
	_ =	sdelay $0x1  }
0xce: {  	v3 =	vadd.s32 v3, v5  }
0xcf: {  	v4 =	vadd.s32 v4, v3  }
0xd0: {  	[tilespmem:v0+s3+$0x30 ss:$0x1] =	vst.idx.msk $0xffff, v4  }
0xd1: {  	v4 =	vld [tilespmem:s3+$0x3830];
	_ =	sdelay $0x4  }
0xd2: {  	v4 =	vadd.s32 v3, v4  }
0xd3: {  	[tilespmem:v2+s3+$0x30 ss:$0x1] =	vst.idx.msk $0xffff, v4  }
0xd4: {  	v4 =	vld [tilespmem:s3+$0x3A30];
	_ =	sdelay $0x4  }
0xd5: {  	v3 =	vadd.s32 v3, v4  }
0xd6: {  	[tilespmem:v1+s3+$0x30 ss:$0x1] =	vst.idx.msk $0xffff, v3  }
0xd7: {  	v3 =	vld [tilespmem:s1+$0x0];
	_ =	sdelay $0x3  }
0xd8: {  	v4 =	vld [tilespmem:s3+$0x3640]  }
0xd9: {  	v5 =	vshrl.u32 v3, $0x7  }
0xda: {  	v5 =	vmul.u32 $0x380, v5;
	_ =	sdelay $0x1  }
0xdb: {  	v3 =	vadd.s32 v3, v5  }
0xdc: {  	v4 =	vadd.s32 v4, v3  }
0xdd: {  	[tilespmem:v0+s3+$0x40 ss:$0x1] =	vst.idx.msk $0xffff, v4  }
0xde: {  	v4 =	vld [tilespmem:s3+$0x3840];
	_ =	sdelay $0x4  }
0xdf: {  	v4 =	vadd.s32 v3, v4  }
0xe0: {  	[tilespmem:v2+s3+$0x40 ss:$0x1] =	vst.idx.msk $0xffff, v4  }
0xe1: {  	v4 =	vld [tilespmem:s3+$0x3A40];
	_ =	sdelay $0x4  }
0xe2: {  	v3 =	vadd.s32 v3, v4  }
0xe3: {  	[tilespmem:v1+s3+$0x40 ss:$0x1] =	vst.idx.msk $0xffff, v3  }
0xe4: {  	v3 =	vld [tilespmem:s1+$0x10]  }
0xe5: {  	v4 =	vld [tilespmem:s3+$0x3650];
	_ =	sdelay $0x3  }
0xe6: {  	v5 =	vshrl.u32 v3, $0x7  }
0xe7: {  	v5 =	vmul.u32 $0x380, v5;
	_ =	sdelay $0x1  }
0xe8: {  	v3 =	vadd.s32 v3, v5  }
0xe9: {  	v4 =	vadd.s32 v4, v3  }
0xea: {  	[tilespmem:v0+s3+$0x50 ss:$0x1] =	vst.idx.msk $0xffff, v4  }
0xeb: {  	v4 =	vld [tilespmem:s3+$0x3850];
	_ =	sdelay $0x4  }
0xec: {  	v4 =	vadd.s32 v3, v4  }
0xed: {  	[tilespmem:v2+s3+$0x50 ss:$0x1] =	vst.idx.msk $0xffff, v4  }
0xee: {  	v4 =	vld [tilespmem:s3+$0x3A50];
	_ =	sdelay $0x4  }
0xef: {  	v3 =	vadd.s32 v3, v4  }
0xf0: {  	[tilespmem:v1+s3+$0x50 ss:$0x1] =	vst.idx.msk $0xffff, v3  }
0xf1: {  	v3 =	vld [tilespmem:s1+$0x20]  }
0xf2: {  	v4 =	vld [tilespmem:s3+$0x3660];
	_ =	sdelay $0x3  }
0xf3: {  	v5 =	vshrl.u32 v3, $0x7  }
0xf4: {  	v5 =	vmul.u32 $0x380, v5;
	_ =	sdelay $0x1  }
0xf5: {  	v3 =	vadd.s32 v3, v5  }
0xf6: {  	v4 =	vadd.s32 v4, v3  }
0xf7: {  	[tilespmem:v0+s3+$0x60 ss:$0x1] =	vst.idx.msk $0xffff, v4  }
0xf8: {  	v4 =	vld [tilespmem:s3+$0x3860];
	_ =	sdelay $0x4  }
0xf9: {  	v4 =	vadd.s32 v3, v4  }
0xfa: {  	[tilespmem:v2+s3+$0x60 ss:$0x1] =	vst.idx.msk $0xffff, v4  }
0xfb: {  	v4 =	vld [tilespmem:s3+$0x3A60];
	_ =	sdelay $0x4  }
0xfc: {  	v3 =	vadd.s32 v3, v4  }
0xfd: {  	[tilespmem:v1+s3+$0x60 ss:$0x1] =	vst.idx.msk $0xffff, v3  }
0xfe: {  	v3 =	vld [tilespmem:s1+$0x30]  }
0xff: {  	v4 =	vld [tilespmem:s3+$0x3670];
	_ =	sdelay $0x3  }
0x100: {  	v5 =	vshrl.u32 v3, $0x7  }
0x101: {  	v5 =	vmul.u32 $0x380, v5;
	_ =	sdelay $0x1  }
0x102: {  	v3 =	vadd.s32 v3, v5  }
0x103: {  	v4 =	vadd.s32 v4, v3  }
0x104: {  	[tilespmem:v0+s3+$0x70 ss:$0x1] =	vst.idx.msk $0xffff, v4  }
0x105: {  	v4 =	vld [tilespmem:s3+$0x3870];
	_ =	sdelay $0x4  }
0x106: {  	v4 =	vadd.s32 v3, v4  }
0x107: {  	[tilespmem:v2+s3+$0x70 ss:$0x1] =	vst.idx.msk $0xffff, v4  }
0x108: {  	v4 =	vld [tilespmem:s3+$0x3A70]  }
.Ltmp1:
0x109: {  	(pc) =	sbr.rel @p0 .LBB2_5-.Ltmp1, $2  }
0x10a: {  	_ =	sdelay $0x2  }
0x10b: {  	v3 =	vadd.s32 v3, v4  }
0x10c: {  	s0 =	sadd.s32 $0x1, s0  }
0x10d: {  	p0 =	sne.s32 s0, $0x14  }
.Ltmp2:
0x10e: {  	_ = 	snop;
	(pc) =	sbr.rel @p0 .LBB2_4-.Ltmp2, $3  }
0x10f: {  	_ =	sdelay $0x1  }
0x110: {  	s28 =	sadd.s32 $0x200, s28;
	s29 =	sadd.s32 $0x200, s29  }
0x111: {  	[tilespmem:v1+s3+$0x70 ss:$0x1] =	vst.idx.msk $0xffff, v3;
	s30 =	sadd.s32 $0x200, s30;
	s2 =	sadd.s32 $0x200, s2;
	s31 =	sadd.s32 $0x1, s31  }
0x112: {  	s0 =	rddreg [dreg:$0x4]  }
0x113: {  	[tilespmem:s20], [sflag:$0x1] =	stream.indirect.gather [hbm4b:s0+s18], $0x1, s19, s18, $0xb8;
	[tilespmem:$0x10400] =	vst v63  }
0x114: {  	s30 =	rddreg [dreg:$0x5]  }
0x115: {  	[tilespmem:s22], [sflag:$0x2] =	stream.indirect.gather [hbm4b:s30+s18], $0x1, s21, s18, $0xb8;
	[tilespmem:$0x10400] =	vst v63  }
0x116: {  	s31 =	simm.s32 $0x0  }
0x117: {  	[hbm4b:s9+s31] =	stream.linear.scatter [tilespmem:s23], [sflag:$0x3], $0x2800, $0x38;
	[tilespmem:$0x10400] =	vst v63  }
0x118: {  	_ =	swait.ge [sflag:s12], $0x2800  }
0x119: {  	[sflag:s12] =	ssyncset.done $0x0  }
0x11a: {  	[sflag:s12] =	ssyncadd.s32 $0xFFFFD800  }
0x11b: {  	_ =	swait.ge [sflag:s24], $0x2800  }
0x11c: {  	[sflag:s24] =	ssyncset.done $0x0  }
0x11d: {  	[sflag:s24] =	ssyncadd.s32 $0xFFFFD800  }
0x11e: {  	_ =	swait.ge [sflag:s25], $0x2800  }
0x11f: {  	[sflag:s25] =	ssyncset.done $0x0  }
0x120: {  	s0 =	simm.s32 $0x0;
	[sflag:s25] =	ssyncadd.s32 $0xFFFFD800  }
0x121: {  	v7 =	vld [tilespmem:s0+$0xDC00]  }
0x122: {  	v11 =	vld [tilespmem:s0+$0xDC10]  }
0x123: {  	v5 =	vld [tilespmem:s0+$0xDC20]  }
0x124: {  	v4 =	vld [tilespmem:s0+$0xDC30]  }
0x125: {  	v3 =	vld [tilespmem:s0+$0xDC40]  }
0x126: {  	v2 =	vld [tilespmem:s0+$0xDC50]  }
0x127: {  	v1 =	vld [tilespmem:s0+$0xDC60]  }
0x128: {  	v0 =	vld [tilespmem:s0+$0xDC70]  }
0x129: {  	v12 =	vld [tilespmem:s0+$0xB400]  }
0x12a: {  	v13 =	vld [tilespmem:s0+$0xB410]  }
0x12b: {  	v10 =	vld [tilespmem:s0+$0xB420]  }
0x12c: {  	v9 =	vld [tilespmem:s0+$0xB430]  }
0x12d: {  	v8 =	vld [tilespmem:s0+$0xB440]  }
0x12e: {  	v6 =	vld [tilespmem:s0+$0xB450];
	v12 =	vadd.f32 v7, v12  }
0x12f: {  	s1 =	simm.s32 $0x200;
	v11 =	vadd.f32 v11, v13;
	v7 =	vld [tilespmem:s0+$0xB460]  }
.LBB2_8:
0x130: {  	s2 =	sshra.s32 s1, $0x2;
	p0 =	sne.s32 s1, $0x9E00;
	[tilespmem:s0+$0xB400] =	vst v12;
	v5 =	vadd.f32 v5, v10;
	v10 =	vld [tilespmem:s0+$0xB470]  }
0x131: {  	v12 =	vld [tilespmem:s2+$0xDC00];
	[tilespmem:s0+$0xB410] =	vst v11;
	v4 =	vadd.f32 v4, v9  }
0x132: {  	v11 =	vld [tilespmem:s2+$0xDC10];
	[tilespmem:s0+$0xB420] =	vst v5;
	v3 =	vadd.f32 v3, v8  }
0x133: {  	v5 =	vld [tilespmem:s2+$0xDC20];
	[tilespmem:s0+$0xB430] =	vst v4;
	v2 =	vadd.f32 v2, v6  }
0x134: {  	v4 =	vld [tilespmem:s2+$0xDC30];
	[tilespmem:s0+$0xB440] =	vst v3;
	v1 =	vadd.f32 v1, v7  }
0x135: {  	v3 =	vld [tilespmem:s2+$0xDC40];
	[tilespmem:s0+$0xB450] =	vst v2;
	v0 =	vadd.f32 v0, v10  }
0x136: {  	v2 =	vld [tilespmem:s2+$0xDC50];
	[tilespmem:s0+$0xB460] =	vst v1  }
0x137: {  	v1 =	vld [tilespmem:s2+$0xDC60];
	[tilespmem:s0+$0xB470] =	vst v0;
	s0 =	smov.u32 s2  }
0x138: {  	v0 =	vld [tilespmem:s0+$0xDC70]  }
0x139: {  	v6 =	vld [tilespmem:s0+$0xB400]  }
0x13a: {  	v7 =	vld [tilespmem:s0+$0xB410]  }
.Ltmp3:
0x13b: {  	v10 =	vld [tilespmem:s0+$0xB420];
	(pc) =	sbr.rel @p0 .LBB2_8-.Ltmp3, $4  }
0x13c: {  	v9 =	vld [tilespmem:s0+$0xB430]  }
0x13d: {  	v8 =	vld [tilespmem:s0+$0xB440]  }
0x13e: {  	v12 =	vadd.f32 v12, v6;
	v6 =	vld [tilespmem:s0+$0xB450]  }
0x13f: {  	s1 =	sadd.s32 $0x200, s1;
	v11 =	vadd.f32 v11, v7;
	v7 =	vld [tilespmem:s0+$0xB460]  }
0x140: {  	[tilespmem:s0+$0xB400] =	vst v12;
	v5 =	vadd.f32 v5, v10;
	v63 =	vld [tilespmem:s0+$0xB470]  }
0x141: {  	[tilespmem:s0+$0xB410] =	vst v11;
	v4 =	vadd.f32 v4, v9  }
0x142: {  	[tilespmem:s0+$0xB420] =	vst v5;
	v3 =	vadd.f32 v3, v8  }
0x143: {  	[tilespmem:s0+$0xB430] =	vst v4;
	v2 =	vadd.f32 v2, v6  }
0x144: {  	[tilespmem:s0+$0xB440] =	vst v3;
	v1 =	vadd.f32 v1, v7  }
0x145: {  	s26 =	sadd.s32 $0x1, s26;
	[tilespmem:s0+$0xB450] =	vst v2;
	v0 =	vadd.f32 v0, v63  }
0x146: {  	p0 =	sne.s32 s26, s11;
	[tilespmem:s0+$0xB460] =	vst v1  }
.Ltmp4:
0x147: {  	[tilespmem:s0+$0xB470] =	vst v0;
	(pc) =	sbr.rel @p0 .LBB2_1-.Ltmp4, $4  }
0x148: {  	[hbm4b:s10+s4] =	stream.linear.scatter [tilespmem:s20], [sflag:$0x3], $0x2800, $0x38;
	[tilespmem:$0x10400] =	vst v63  }
0x149: {  	_ =	swait.ge [sflag:s12], $0x2800  }
0x14a: {  	[sflag:s12] =	ssyncset.done $0x0  }
0x14b: {  	[sflag:s12] =	ssyncadd.s32 $0xFFFFD800  }
0x14c: {  	_ =	sfence.sel $0x180000  }
0x14d: {  	[bflag:$0x0] =	sbarrier.arrive $0xFFFF  }
0x14e: {  	_ =	strace $0x90000047  }
0x14f: {  	s0 =	stileid.u32;
	[bflag:$0x2] =	sbarrier.arrive $0xFFFF  }
0x150: {  	p0 =	sne.s32 s0, $0x0;
	s0 =	rddreg [dreg:$0x7]  }
0x151: {  	s0 =	sadd.s32 @!p0 $0x100000, s0  }
0x152: {  	[sflag:s0] =	ssyncadd.tile.s32 @!p0 $0x1;
	_ =	shalt  }
.Lfunc_end2:
_tile_overlayer_lowered:
.L_overlay_start_2:
0x153: {  	(tag) =	ssettag $0x2  }
0x154: {  	s0 =	rddreg [dreg:$0x0];
	s2 =	stileid.u32  }
0x155: {  	s1 =	rddreg [dreg:$0x1];
	p0 =	sne.s32 s2, $0x0  }
0x156: {  	s3 =	rddreg [dreg:$0x2];
	[bflag:$0x3] =	sbarrier.arrive $0xFFFF;
	s2 =	simm.s32 @!p0 $0x1C03  }
0x157: {  	[timem:s3], [sflag:s2] =	dma.local @!p0 [hbm:s0], s1  }
0x158: {  	s0 =	simm.s32 @!p0 $0x3  }
0x159: {  	_ =	swait.ge @!p0 [sflag:s0], s1  }
0x15a: {  	s1 =	ssub.s32 @!p0 $0x0, s1;
	[sflag:s0] =	ssyncset.done @!p0 $0x0  }
0x15b: {  	[sflag:s0] =	ssyncadd.s32 @!p0 s1  }
0x15c: {  	[bflag:$0x3] =	sbarrier.arrive $0xFFFF  }
0x15d: {  	_ =	shalt  }

// kernel: _sage_sc.7.cloned.1.call-start
scs
__scs_entry_jumppad:
0x0: {  	(pc) =	sbr.rel $0x88, $3  }
0x1: {  	(tag) =	ssettag $0x0;
	lr =	simm.s32 $0x1  }
0x2: {  	[smem:$0x3F99] =	sst lr;
	_ =	strace $0xD0000000  }
0x3: {  	_ = 	snop  }
0x4: {  	_ = 	snop  }
0x5: {  	_ = 	snop  }
0x6: {  	_ = 	snop  }
0x7: {  	_ = 	snop  }
__scs_overlays_trampoline_lowered:
0x8: {  	[smem:$0x3FA8] =	sst s0  }
0x9: {  	[smem:$0x3FA9] =	sst s1  }
0xa: {  	[smem:$0x3FAA] =	sst s2  }
0xb: {  	[smem:$0x3FAB] =	sst s3  }
0xc: {  	[smem:$0x3FAC] =	sst s4  }
0xd: {  	[smem:$0x3FAD] =	sst s5  }
0xe: {  	[smem:$0x3FAE] =	sst s6  }
0xf: {  	[smem:$0x3FAF] =	sst s7  }
0x10: {  	[smem:$0x3FB0] =	sst s8  }
0x11: {  	[smem:$0x3FB1] =	sst s9;
	s0 =	simm.s32 @!p0 $0x0  }
0x12: {  	s1 =	sld [smem:$0x3F97];
	s0 =	simm.s32 @p0 $0x1  }
0x13: {  	[smem:$0x3FB2] =	sst s0;
	s0 =	simm.s32 @!p1 $0x0  }
0x14: {  	s2 =	sld [smem:$0x3F96];
	s0 =	simm.s32 @p1 $0x1  }
0x15: {  	[smem:$0x3FB3] =	sst s0;
	s0 =	simm.s32 @!p2 $0x0  }
0x16: {  	s3 =	sld [smem:$0x3FDB];
	s0 =	simm.s32 @p2 $0x1  }
0x17: {  	s4 =	simm.s32 $0x1BF5;
	[smem:$0x3FB5] =	sst s0  }
0x18: {  	s0 =	sld [smem:$0x3F98];
	_ =	swait.ge [sflag:s4], $0x0  }
0x19: {  	s7 =	sld [smem:$0x3F99]  }
0x1a: {  	s8 =	sadd.s32 $0xFFFFE003, lr  }
0x1b: {  	s9 =	sadd.s32 $0xFFFFFEF7, lr;
	s5 =	simm.s32 $0xFFFFFFFF;
	p2 =	slt.u32 s8, $0xFFFFF086  }
0x1c: {  	p1 =	slt.u32 s9, $0xF7A;
	s5 =	simm.s32 @!p2 $0x0  }
0x1d: {  	s5 =	simm.s32 @p1 $0x1;
	p0 =	seq.s32 s7, s2  }
0x1e: {  	s7 =	smul.u32 @!p0 $0xF7A, s2;
	p2 =	seq.s32 @!p0 s5, $0x0  }
0x1f: {  	s9 =	smul.u32 $0xF7A, s1;
	s8 =	simm.s32 @!p0 $0x1BF5;
	p2 =	por !p2, p0  }
0x20: {  	[sflag:s8] =	ssyncset.s32 @!p0 $0xFFFFF086;
	s6 =	sadd.s32 @!p0 s3, s7;
	s7 =	simm.s32 @!p0 $0x108  }
0x21: {  	s3 =	sadd.s32 s3, s9;
	s6 =	sadd.s32 @!p0 $0x88, s6;
	s7 =	simm.s32 @p2 $0x1082  }
0x22: {  	[simem:s7], [sflag:s8] =	dma.local @!p0 [hbm:s6], $0xF7A  }
0x23: {  	s9 =	sor.u32 $0xD0000000, s2;
	s6 =	simm.s32 $0x108;
	_ =	swait.ge @!p0 [sflag:s8], $0x0  }
0x24: {  	s3 =	sadd.s32 $0x88, s3;
	s6 =	simm.s32 @!p1 $0x1082;
	[sflag:s4] =	ssyncset.s32 $0xFFFFF086  }
0x25: {  	[simem:s6], [sflag:s4] =	dma.local [hbm:s3], $0xF7A  }
0x26: {  	[smem:$0x3F99] =	sst s1;
	(tag) =	ssettag s2;
	_ =	strace s9  }
0x27: {  	s1 =	sld [smem:$0x3FA9]  }
0x28: {  	s2 =	sld [smem:$0x3FAA]  }
0x29: {  	s4 =	sld [smem:$0x3FAC]  }
0x2a: {  	p0 =	seq.s32 s5, $0x0;
	s5 =	sld [smem:$0x3FAD]  }
0x2b: {  	s6 =	sld [smem:$0x3FAE]  }
0x2c: {  	s7 =	sld [smem:$0x3FAF]  }
0x2d: {  	s3 =	simm.s32 $0x108;
	s8 =	sld [smem:$0x3FB0]  }
0x2e: {  	s3 =	simm.s32 @!p0 $0x1082;
	s9 =	sld [smem:$0x3FB1]  }
0x2f: {  	lr =	sadd.s32 s0, s3;
	s0 =	sld [smem:$0x3FA8]  }
0x30: {  	s3 =	sld [smem:$0x3FAB]  }
0x31: {  	[smem:$0x3FB4] =	sst s10  }
0x32: {  	s10 =	sld [smem:$0x3FB2];
	_ =	sdelay $0x3  }
0x33: {  	p0 =	seq.s32 s10, $0x1;
	s10 =	sld [smem:$0x3FB4];
	_ =	sdelay $0x3  }
0x34: {  	[smem:$0x3FB4] =	sst s10  }
0x35: {  	s10 =	sld [smem:$0x3FB3];
	_ =	sdelay $0x3  }
0x36: {  	p1 =	seq.s32 s10, $0x1;
	s10 =	sld [smem:$0x3FB4];
	_ =	sdelay $0x3  }
0x37: {  	[smem:$0x3FB4] =	sst s10  }
0x38: {  	s10 =	sld [smem:$0x3FB5]  }
0x39: {  	_ = 	snop;
	(pc) =	sbr.ind lr, $3  }
0x3a: {  	_ = 	snop  }
0x3b: {  	_ = 	snop  }
0x3c: {  	p2 =	seq.s32 s10, $0x1;
	s10 =	sld [smem:$0x3FB4]  }
0x3d: {  	_ =	shalt  }
0x3e: {  	_ =	shalt  }
0x3f: {  	_ =	shalt  }
0x40: {  	_ =	shalt  }
0x41: {  	_ =	shalt  }
0x42: {  	_ =	shalt  }
0x43: {  	_ =	shalt  }
0x44: {  	_ =	shalt  }
0x45: {  	_ =	shalt  }
0x46: {  	_ =	shalt  }
0x47: {  	_ =	shalt  }
0x48: {  	_ =	shalt  }
0x49: {  	_ =	shalt  }
0x4a: {  	_ =	shalt  }
0x4b: {  	_ =	shalt  }
0x4c: {  	_ =	shalt  }
0x4d: {  	_ =	shalt  }
0x4e: {  	_ =	shalt  }
0x4f: {  	_ =	shalt  }
0x50: {  	_ =	shalt  }
0x51: {  	_ =	shalt  }
0x52: {  	_ =	shalt  }
0x53: {  	_ =	shalt  }
0x54: {  	_ =	shalt  }
0x55: {  	_ =	shalt  }
0x56: {  	_ =	shalt  }
0x57: {  	_ =	shalt  }
0x58: {  	_ =	shalt  }
0x59: {  	_ =	shalt  }
0x5a: {  	_ =	shalt  }
0x5b: {  	_ =	shalt  }
0x5c: {  	_ =	shalt  }
0x5d: {  	_ =	shalt  }
0x5e: {  	_ =	shalt  }
0x5f: {  	_ =	shalt  }
0x60: {  	_ =	shalt  }
0x61: {  	_ =	shalt  }
0x62: {  	_ =	shalt  }
0x63: {  	_ =	shalt  }
0x64: {  	_ =	shalt  }
0x65: {  	_ =	shalt  }
0x66: {  	_ =	shalt  }
0x67: {  	_ =	shalt  }
0x68: {  	_ =	shalt  }
0x69: {  	_ =	shalt  }
0x6a: {  	_ =	shalt  }
0x6b: {  	_ =	shalt  }
0x6c: {  	_ =	shalt  }
0x6d: {  	_ =	shalt  }
0x6e: {  	_ =	shalt  }
0x6f: {  	_ =	shalt  }
0x70: {  	_ =	shalt  }
0x71: {  	_ =	shalt  }
0x72: {  	_ =	shalt  }
0x73: {  	_ =	shalt  }
0x74: {  	_ =	shalt  }
0x75: {  	_ =	shalt  }
0x76: {  	_ =	shalt  }
0x77: {  	_ =	shalt  }
0x78: {  	_ =	shalt  }
0x79: {  	_ =	shalt  }
0x7a: {  	_ =	shalt  }
0x7b: {  	_ =	shalt  }
0x7c: {  	_ =	shalt  }
0x7d: {  	_ =	shalt  }
0x7e: {  	_ =	shalt  }
0x7f: {  	_ =	shalt  }
0x80: {  	_ =	shalt  }
0x81: {  	_ =	shalt  }
0x82: {  	_ =	shalt  }
0x83: {  	_ =	shalt  }
0x84: {  	_ =	shalt  }
0x85: {  	_ =	shalt  }
0x86: {  	_ =	shalt  }
0x87: {  	_ =	shalt  }
.Lfunc_end0:
.L_simem_size_0:
called_computation.1_lowered:
.L_overlay_start_0:
0x88: {  	s2 =	sld [smem:$0x3FD9]  }
0x89: {  	s3 =	sld [smem:$0x3FFE];
	_ =	sdelay $0x1  }
0x8a: {  	s1 =	srdreg.scid  }
0x8b: {  	s0 =	sand.u32 $0x1, s1  }
0x8c: {  	s17 =	sshll.u32 s0, $0xA;
	s2 =	sadd.s32 s3, s2  }
0x8d: {  	s2 =	sadd.s32 s2, s17  }
0x8e: {  	[smem:$0x3FC0] =	sst s2  }
0x8f: {  	_ = 	snop  }
0x90: {  	s2 =	sld [smem:$0x3FC6]  }
0x91: {  	s18 =	sld [smem:$0x3FC5]  }
0x92: {  	s4 =	sld [smem:$0x3FC2]  }
0x93: {  	s5 =	sld [smem:$0x3FD0];
	(tm) =	ssettm $0x1  }
0x94: {  	s6 =	sld [smem:$0x3FFB];
	_ =	sdelay $0x3  }
0x95: {  	_ =	strace s6  }
0x96: {  	s6 =	sld [smem:$0x3FFC];
	_ =	sdelay $0x3  }
0x97: {  	_ =	strace s6  }
0x98: {  	s6 =	sld [smem:$0x3FFD];
	_ =	sdelay $0x3  }
0x99: {  	_ =	strace s6  }
0x9a: {  	_ =	strace $0x8FFFFFFF  }
0x9b: {  	s19 =	sld [smem:$0x3FDB];
	_ =	sdelay $0x1  }
0x9c: {  	s7 =	simm.s32 $_scs_section_size  }
0x9d: {  	s8 =	simm.s32 $_size__tile_overlayer_lowered;
	s9 =	simm.s32 $_tile_overlayer_lowered  }
0x9e: {  	s22 =	simm.s32 $0x1BFF;
	s21 =	sshll.u32 s9, $0x1;
	s6 =	sadd.s32 s7, s19  }
0x9f: {  	s10 =	simm.s32 $0x0;
	s20 =	sshll.u32 s8, $0x1;
	s8 =	sadd.s32 s21, s6  }
0xa0: {  	[timem:s10], [sflag:s22] =	dma.local [hbm:s8], s20  }
0xa1: {  	_ =	swait.ge [sflag:s22], s20  }
0xa2: {  	s7 =	ssub.s32 $0x0, s20;
	[sflag:s22] =	ssyncset.done $0x0  }
0xa3: {  	[sflag:s22] =	ssyncadd.s32 s7;
	_ =	sdelay $0x1  }
0xa4: {  	s23 =	simm.s32 $0x1B8B  }
0xa5: {  	_ =	swait.ge [sflag:s23], $0x1  }
0xa6: {  	[sflag:s23] =	ssyncset.done $0x0  }
0xa7: {  	s25 =	simm.s32 $0x1B8E;
	s24 =	sld [smem:$0x3FFE];
	[sflag:s23] =	ssyncadd.s32 $0xFFFFFFFF  }
0xa8: {  	s26 =	simm.s32 $execute0_lowered;
	[smem:$0x3FD2] =	sst s25  }
0xa9: {  	s8 =	sshll.u32 s26, $0x1;
	_ =	strace $0x80000049;
	[dreg:$0x1] =	wrdreg $0xFFFFFFFF  }
0xaa: {  	s28 =	simm.s32 $_size_execute0_lowered;
	s6 =	sadd.s32 s6, s8;
	[dreg:$0x0] =	wrdreg $0x0  }
0xab: {  	s8 =	sshll.u32 s28, $0x1;
	[dreg:$0x2] =	wrdreg s6  }
0xac: {  	[dreg:$0x3] =	wrdreg s8  }
0xad: {  	[dreg:$0x4] =	wrdreg $0xC0  }
0xae: {  	_ =	task [dreg:s10], $0x5FFFF  }
0xaf: {  	[dreg:$0x1] =	wrdreg $0xFFFFFFFF  }
0xb0: {  	[dreg:$0x0] =	wrdreg $0x60  }
0xb1: {  	[dreg:$0x2] =	wrdreg s2  }
0xb2: {  	[dreg:$0x3] =	wrdreg s18  }
0xb3: {  	[dreg:$0x4] =	wrdreg s4  }
0xb4: {  	[dreg:$0x5] =	wrdreg s24  }
0xb5: {  	[dreg:$0x6] =	wrdreg s5  }
0xb6: {  	[dreg:$0x7] =	wrdreg $0x9  }
0xb7: {  	_ =	task.clear_ibuf [dreg:s10], $0x8FFFF;
	_ =	strace $0x90000049  }
0xb8: {  	s29 =	simm.s32 $0x9;
	_ =	strace $0x8000004B  }
0xb9: {  	_ =	swait.ge [sflag:s29], $0x1  }
0xba: {  	[sflag:s29] =	ssyncadd.s32 $0xFFFFFFFF  }
0xbb: {  	_ =	strace $0x9000004B  }
0xbc: {  	_ =	sfence  }
0xbd: {  	s30 =	sld [smem:$0x0];
	_ =	sdelay $0x2  }
0xbe: {  	s31 =	sshll.u32 s1, $0xD;
	s1 =	sshrl.u32 s1, $0x2  }
0xbf: {  	s3 =	sand.u32 $0x4000, s31;
	s1 =	sadd.s32 s1, s30  }
0xc0: {  	s0 =	sor.u32 s3, s0;
	s1 =	sshll.u32 s1, $0x11  }
0xc1: {  	s0 =	sor.u32 s1, s0  }
0xc2: {  	s0 =	sadd.s32 $0x8F2B, s0  }
0xc3: {  	[sflag:s0] =	ssyncadd.remote.s32 $0x1  }
0xc4: {  	_ =	sfence.sel $0xFFFF  }
0xc5: {  	[dreg:$0x0] =	wrdreg $0xFFFFFFFF;
	(pc) =	sbr.abs _section_cstart, $3  }
0xc6: {  	[dreg:$0x1] =	wrdreg $0xFFFFFFFF  }
0xc7: {  	_ =	task.clear_ibuf [dreg:s10], $0x2FFFF;
	_ =	strace $0x9FFFFFFF  }
0xc8: {  	(tm) =	ssettm $0x7FFFFFFF  }
0xc9: {  	_ =	shalt  }
tec
execute0_lowered:
.L_overlay_start_1:
0x0: {  	(tag) =	ssettag $0x1  }
0x1: {  	s5 =	rddreg [dreg:$0x0]  }
0x2: {  	s6 =	rddreg [dreg:$0x1]  }
0x3: {  	s1 =	rddreg [dreg:$0x2]  }
0x4: {  	s4 =	rddreg [dreg:$0x3];
	s2 =	srdreg.scid  }
0x5: {  	s0 =	stileid.u32;
	s8 =	rddreg [dreg:$0x4];
	s3 =	simm.s32 $0x0  }
0x6: {  	s12 =	simm.s32 $0x2800;
	s13 =	simm.s32 $0xB000;
	s14 =	simm.s32 $0x1000  }
0x7: {  	s15 =	simm.s32 $0x20000;
	s16 =	simm.s32 $0x3000;
	s17 =	simm.s32 $0x6000  }
0x8: {  	s18 =	simm.s32 $0x1;
	s19 =	simm.s32 $0x10000;
	s20 =	simm.s32 $0x0  }
0x9: {  	s7 =	sand.u32 $0x1, s2;
	s9 =	sshll.u32 s0, $0x1;
	s2 =	rddreg [dreg:$0x5]  }
0xa: {  	[smem:$0x7FF] =	sst s3;
	s9 =	sor.u32 s7, s9;
	s7 =	ssub.s32 $0x2, s7  }
0xb: {  	_ =	strace $0x8000004A;
	s10 =	smul.u32 $0x500, s9;
	s11 =	sshrl.u32 s7, $0x1  }
0xc: {  	s31 =	sshll.u32 s9, $0x9;
	s9 =	sshll.u32 s9, $0x6;
	s11 =	ssub.s32 s7, s11  }
0xd: {  	s5 =	sadd.s32 s5, s31;
	s6 =	sadd.s32 s6, s31;
	s8 =	sadd.s32 s8, s9  }
0xe: {  	s10 =	sadd.s32 s10, s4;
	s9 =	smax.u32 s11, $0x1;
	s11 =	simm.s32 $0x2  }
0xf: {  	s4 =	sadd.s32 $0xAC00, s10;
	s7 =	sadd.s32 $0xC00, s10;
	s10 =	simm.s32 $0x8800  }
.LBB2_1:
0x10: {  	[tilespmem:s10], [sflag:$0x2] =	stream.linear.gather [hbm4b:s4+s3], $0x2800, $0x38;
	[tilespmem:$0x10200] =	vst v63  }
0x11: {  	_ =	swait.ge [sflag:s11], $0x2800  }
0x12: {  	[sflag:s11] =	ssyncset.done $0x0  }
0x13: {  	[sflag:s11] =	ssyncadd.s32 $0xFFFFD800  }
0x14: {  	[tilespmem:s13], [sflag:$0x1] =	stream.indirect.gather [hbm4b:s1+s12], $0x1, s10, s12, $0xb8;
	[tilespmem:$0x10200] =	vst v63  }
0x15: {  	_ = 	snop  }
0x16: {  	[tilespmem:s3], [sflag:$0x2] =	stream.strided.gather [hbm4b:s5+s14], $0x3000, s15, s14, $0x38;
	[tilespmem:$0x10200] =	vst v63  }
0x17: {  	_ =	swait.ge [sflag:s11], $0x3000  }
0x18: {  	[sflag:s11] =	ssyncset.done $0x0  }
0x19: {  	[sflag:s11] =	ssyncadd.s32 $0xFFFFD000  }
0x1a: {  	[tilespmem:s16], [sflag:$0x2] =	stream.strided.gather [hbm4b:s6+s14], $0x3000, s15, s14, $0x38;
	[tilespmem:$0x10200] =	vst v63  }
0x1b: {  	_ =	swait.ge [sflag:s11], $0x3000  }
0x1c: {  	[sflag:s11] =	ssyncset.done $0x0  }
0x1d: {  	[sflag:s11] =	ssyncadd.s32 $0xFFFFD000  }
0x1e: {  	[tilespmem:s17], [sflag:$0x2] =	stream.linear.gather [hbm4b:s7+s3], $0x2800, $0x38;
	[tilespmem:$0x10200] =	vst v63  }
0x1f: {  	_ =	swait.ge [sflag:s11], $0x2800  }
0x20: {  	[sflag:s11] =	ssyncset.done $0x0  }
0x21: {  	[sflag:s11] =	ssyncadd.s32 $0xFFFFD800  }
0x22: {  	s21 =	simm.s32 $0xD870;
	s22 =	simm.s32 $0xB070;
	_ =	swait.ge [sflag:s18], $0x2800  }
0x23: {  	s23 =	simm.s32 $0x6070;
	s24 =	simm.s32 $0x0;
	[sflag:s18] =	ssyncset.done $0x0  }
0x24: {  	s25 =	simm.s32 $0x0;
	s26 =	simm.s32 $0x0;
	[sflag:s18] =	ssyncadd.s32 $0xFFFFD800  }
.LBB2_2:
0x25: {  	s28 =	sshll.u32 s25, $0x2;
	s29 =	sand.u32 $0x7, s24  }
0x26: {  	v0 =	vmov s23;
	s28 =	sand.u32 $0xFFFFC000, s28;
	s29 =	sshll.u32 s29, $0x9  }
0x27: {  	v1 =	vmov s22;
	s28 =	sor.u32 s29, s28  }
0x28: {  	s29 =	sshrl.u32 s28, $0x2  }
0x29: {  	s30 =	simm.s32 $0x0;
	v2 =	vmov s21;
	s28 =	sor.u32 $0x40, s29;
	s29 =	sadd.s32 $0x3040, s29  }
.LBB2_3:
0x2a: {  	s31 =	sshra.s32 s30, $0x2  }
0x2b: {  	v3 =	vld.idx.msk [tilespmem:v0+s31+$0xFFFFFF90 ss:$0x1], $0xffff  }
0x2c: {  	v4 =	vld.idx.msk [tilespmem:v1+s31+$0xFFFFFF90 ss:$0x1], $0xffff;
	_ =	sdelay $0x1  }
0x2d: {  	v5 =	vld [tilespmem:s29+$0xFFFFFFC0];
	_ =	sdelay $0x2  }
0x2e: {  	v3 =	vadd.f32 v4, v3;
	_ =	sdelay $0x1  }
0x2f: {  	v3 =	vmul.f32 v3, v5;
	_ =	sdelay $0x1  }
0x30: {  	v19 =	vand.u32 $0x7FFFFFFF, v3  }
0x31: {  	v4 =	vsub.f32 $0.0e+00, v19;
	_ =	sdelay $0x1  }
0x32: {  	v4 =	vmul.f32 $1.442695020e+00, v4;
	_ =	sdelay $0x1  }
0x33: {  	(erf) = vpow2.f32 v4;
	_ =	sdelay $0x8  }
0x34: {  	v4 =	vpop (erf)  }
0x35: {  	v20 =	vadd.f32 $2.000000000e+00, v4;
	_ =	sdelay $0x1  }
0x36: {  	(erf) = vrcp.f32 v20;
	_ =	sdelay $0x8  }
0x37: {  	v5 =	vpop (erf)  }
0x38: {  	v4 =	vmul.f32 v5, v4;
	_ =	sdelay $0x1  }
0x39: {  	v5 =	vmul.f32 v4, v4;
	_ =	sdelay $0x1  }
0x3a: {  	v6 =	vmul.f32 $1.111111120e-01, v5;
	_ =	sdelay $0x1  }
0x3b: {  	v6 =	vadd.f32 $1.428571490e-01, v6;
	_ =	sdelay $0x1  }
0x3c: {  	v6 =	vmul.f32 v6, v5;
	_ =	sdelay $0x1  }
0x3d: {  	v6 =	vadd.f32 $2.000000030e-01, v6;
	_ =	sdelay $0x1  }
0x3e: {  	v6 =	vmul.f32 v6, v5;
	_ =	sdelay $0x1  }
0x3f: {  	v6 =	vadd.f32 $3.333333430e-01, v6;
	_ =	sdelay $0x1  }
0x40: {  	v5 =	vmul.f32 v6, v5;
	_ =	sdelay $0x1  }
0x41: {  	v21 =	vld [tilespmem:s28+$0xFFFFFFC0];
	v4 =	vadd.f32 v4, v4;
	v5 =	vadd.f32 $1.000000000e+00, v5;
	_ =	sdelay $0x1  }
0x42: {  	v4 =	vmul.f32 v5, v4  }
0x43: {  	v3 =	vmin.f32 v3, $0.0e+00  }
0x44: {  	v3 =	vsub.f32 v3, v4  }
0x45: {  	vm0 =	veq.s32 v21, $0x186A0  }
0x46: {  	v3 =	vsel vm0, $0x0, v3  }
0x47: {  	[tilespmem:v2+s31+$0xFFFFFF90 ss:$0x1] =	vst.idx.msk $0xffff, v3  }
0x48: {  	v3 =	vld.idx.msk [tilespmem:v0+s31+$0xFFFFFFA0 ss:$0x1], $0xffff  }
0x49: {  	v22 =	vld.idx.msk [tilespmem:v1+s31+$0xFFFFFFA0 ss:$0x1], $0xffff;
	_ =	sdelay $0x1  }
0x4a: {  	v23 =	vld [tilespmem:s29+$0xFFFFFFD0];
	_ =	sdelay $0x2  }
0x4b: {  	v3 =	vadd.f32 v22, v3;
	_ =	sdelay $0x1  }
0x4c: {  	v3 =	vmul.f32 v3, v23;
	_ =	sdelay $0x1  }
0x4d: {  	v24 =	vand.u32 $0x7FFFFFFF, v3  }
0x4e: {  	v4 =	vsub.f32 $0.0e+00, v24;
	_ =	sdelay $0x1  }
0x4f: {  	v4 =	vmul.f32 $1.442695020e+00, v4;
	_ =	sdelay $0x1  }
0x50: {  	(erf) = vpow2.f32 v4;
	_ =	sdelay $0x8  }
0x51: {  	v4 =	vpop (erf)  }
0x52: {  	v25 =	vadd.f32 $2.000000000e+00, v4;
	_ =	sdelay $0x1  }
0x53: {  	(erf) = vrcp.f32 v25;
	_ =	sdelay $0x8  }
0x54: {  	v5 =	vpop (erf)  }
0x55: {  	v4 =	vmul.f32 v5, v4;
	_ =	sdelay $0x1  }
0x56: {  	v5 =	vmul.f32 v4, v4;
	_ =	sdelay $0x1  }
0x57: {  	v26 =	vmul.f32 $1.111111120e-01, v5;
	_ =	sdelay $0x1  }
0x58: {  	v6 =	vadd.f32 $1.428571490e-01, v26;
	_ =	sdelay $0x1  }
0x59: {  	v6 =	vmul.f32 v6, v5;
	_ =	sdelay $0x1  }
0x5a: {  	v6 =	vadd.f32 $2.000000030e-01, v6;
	_ =	sdelay $0x1  }
0x5b: {  	v6 =	vmul.f32 v6, v5;
	_ =	sdelay $0x1  }
0x5c: {  	v6 =	vadd.f32 $3.333333430e-01, v6;
	_ =	sdelay $0x1  }
0x5d: {  	v5 =	vmul.f32 v6, v5;
	_ =	sdelay $0x1  }
0x5e: {  	v27 =	vld [tilespmem:s28+$0xFFFFFFD0];
	v4 =	vadd.f32 v4, v4;
	v5 =	vadd.f32 $1.000000000e+00, v5;
	_ =	sdelay $0x1  }
0x5f: {  	v4 =	vmul.f32 v5, v4  }
0x60: {  	v3 =	vmin.f32 v3, $0.0e+00  }
0x61: {  	v3 =	vsub.f32 v3, v4  }
0x62: {  	vm9 =	veq.s32 v27, $0x186A0  }
0x63: {  	v3 =	vsel vm9, $0x0, v3  }
0x64: {  	[tilespmem:v2+s31+$0xFFFFFFA0 ss:$0x1] =	vst.idx.msk $0xffff, v3  }
0x65: {  	v3 =	vld.idx.msk [tilespmem:v0+s31+$0xFFFFFFB0 ss:$0x1], $0xffff  }
0x66: {  	v28 =	vld.idx.msk [tilespmem:v1+s31+$0xFFFFFFB0 ss:$0x1], $0xffff;
	_ =	sdelay $0x1  }
0x67: {  	v29 =	vld [tilespmem:s29+$0xFFFFFFE0];
	_ =	sdelay $0x2  }
0x68: {  	v3 =	vadd.f32 v28, v3;
	_ =	sdelay $0x1  }
0x69: {  	v3 =	vmul.f32 v3, v29;
	_ =	sdelay $0x1  }
0x6a: {  	v30 =	vand.u32 $0x7FFFFFFF, v3  }
0x6b: {  	v4 =	vsub.f32 $0.0e+00, v30;
	_ =	sdelay $0x1  }
0x6c: {  	v4 =	vmul.f32 $1.442695020e+00, v4;
	_ =	sdelay $0x1  }
0x6d: {  	(erf) = vpow2.f32 v4;
	_ =	sdelay $0x8  }
0x6e: {  	v4 =	vpop (erf)  }
0x6f: {  	v31 =	vadd.f32 $2.000000000e+00, v4;
	_ =	sdelay $0x1  }
0x70: {  	(erf) = vrcp.f32 v31;
	_ =	sdelay $0x8  }
0x71: {  	v5 =	vpop (erf)  }
0x72: {  	v4 =	vmul.f32 v5, v4;
	_ =	sdelay $0x1  }
0x73: {  	v5 =	vmul.f32 v4, v4;
	_ =	sdelay $0x1  }
0x74: {  	v32 =	vmul.f32 $1.111111120e-01, v5;
	_ =	sdelay $0x1  }
0x75: {  	v6 =	vadd.f32 $1.428571490e-01, v32;
	_ =	sdelay $0x1  }
0x76: {  	v6 =	vmul.f32 v6, v5;
	_ =	sdelay $0x1  }
0x77: {  	v6 =	vadd.f32 $2.000000030e-01, v6;
	_ =	sdelay $0x1  }
0x78: {  	v6 =	vmul.f32 v6, v5;
	_ =	sdelay $0x1  }
0x79: {  	v6 =	vadd.f32 $3.333333430e-01, v6;
	_ =	sdelay $0x1  }
0x7a: {  	v5 =	vmul.f32 v6, v5;
	_ =	sdelay $0x1  }
0x7b: {  	v33 =	vld [tilespmem:s28+$0xFFFFFFE0];
	v4 =	vadd.f32 v4, v4;
	v5 =	vadd.f32 $1.000000000e+00, v5;
	_ =	sdelay $0x1  }
0x7c: {  	v4 =	vmul.f32 v5, v4  }
0x7d: {  	v3 =	vmin.f32 v3, $0.0e+00  }
0x7e: {  	v3 =	vsub.f32 v3, v4  }
0x7f: {  	vm10 =	veq.s32 v33, $0x186A0  }
0x80: {  	v3 =	vsel vm10, $0x0, v3  }
0x81: {  	[tilespmem:v2+s31+$0xFFFFFFB0 ss:$0x1] =	vst.idx.msk $0xffff, v3  }
0x82: {  	v3 =	vld.idx.msk [tilespmem:v0+s31+$0xFFFFFFC0 ss:$0x1], $0xffff  }
0x83: {  	v34 =	vld.idx.msk [tilespmem:v1+s31+$0xFFFFFFC0 ss:$0x1], $0xffff;
	_ =	sdelay $0x1  }
0x84: {  	v35 =	vld [tilespmem:s29+$0xFFFFFFF0];
	_ =	sdelay $0x2  }
0x85: {  	v3 =	vadd.f32 v34, v3;
	_ =	sdelay $0x1  }
0x86: {  	v3 =	vmul.f32 v3, v35;
	_ =	sdelay $0x1  }
0x87: {  	v36 =	vand.u32 $0x7FFFFFFF, v3  }
0x88: {  	v4 =	vsub.f32 $0.0e+00, v36;
	_ =	sdelay $0x1  }
0x89: {  	v4 =	vmul.f32 $1.442695020e+00, v4;
	_ =	sdelay $0x1  }
0x8a: {  	(erf) = vpow2.f32 v4;
	_ =	sdelay $0x8  }
0x8b: {  	v4 =	vpop (erf)  }
0x8c: {  	v37 =	vadd.f32 $2.000000000e+00, v4;
	_ =	sdelay $0x1  }
0x8d: {  	(erf) = vrcp.f32 v37;
	_ =	sdelay $0x8  }
0x8e: {  	v5 =	vpop (erf)  }
0x8f: {  	v4 =	vmul.f32 v5, v4;
	_ =	sdelay $0x1  }
0x90: {  	v5 =	vmul.f32 v4, v4;
	_ =	sdelay $0x1  }
0x91: {  	v38 =	vmul.f32 $1.111111120e-01, v5;
	_ =	sdelay $0x1  }
0x92: {  	v6 =	vadd.f32 $1.428571490e-01, v38;
	_ =	sdelay $0x1  }
0x93: {  	v6 =	vmul.f32 v6, v5;
	_ =	sdelay $0x1  }
0x94: {  	v6 =	vadd.f32 $2.000000030e-01, v6;
	_ =	sdelay $0x1  }
0x95: {  	v6 =	vmul.f32 v6, v5;
	_ =	sdelay $0x1  }
0x96: {  	v6 =	vadd.f32 $3.333333430e-01, v6;
	_ =	sdelay $0x1  }
0x97: {  	v5 =	vmul.f32 v6, v5;
	_ =	sdelay $0x1  }
0x98: {  	v39 =	vld [tilespmem:s28+$0xFFFFFFF0];
	v4 =	vadd.f32 v4, v4;
	v5 =	vadd.f32 $1.000000000e+00, v5;
	_ =	sdelay $0x1  }
0x99: {  	v4 =	vmul.f32 v5, v4  }
0x9a: {  	v3 =	vmin.f32 v3, $0.0e+00  }
0x9b: {  	v3 =	vsub.f32 v3, v4  }
0x9c: {  	vm11 =	veq.s32 v39, $0x186A0  }
0x9d: {  	v3 =	vsel vm11, $0x0, v3  }
0x9e: {  	[tilespmem:v2+s31+$0xFFFFFFC0 ss:$0x1] =	vst.idx.msk $0xffff, v3  }
0x9f: {  	v3 =	vld.idx.msk [tilespmem:v0+s31+$0xFFFFFFD0 ss:$0x1], $0xffff  }
0xa0: {  	v40 =	vld.idx.msk [tilespmem:v1+s31+$0xFFFFFFD0 ss:$0x1], $0xffff;
	_ =	sdelay $0x1  }
0xa1: {  	v41 =	vld [tilespmem:s29+$0x0];
	_ =	sdelay $0x2  }
0xa2: {  	v3 =	vadd.f32 v40, v3;
	_ =	sdelay $0x1  }
0xa3: {  	v3 =	vmul.f32 v3, v41;
	_ =	sdelay $0x1  }
0xa4: {  	v42 =	vand.u32 $0x7FFFFFFF, v3  }
0xa5: {  	v4 =	vsub.f32 $0.0e+00, v42;
	_ =	sdelay $0x1  }
0xa6: {  	v4 =	vmul.f32 $1.442695020e+00, v4;
	_ =	sdelay $0x1  }
0xa7: {  	(erf) = vpow2.f32 v4;
	_ =	sdelay $0x8  }
0xa8: {  	v4 =	vpop (erf)  }
0xa9: {  	v43 =	vadd.f32 $2.000000000e+00, v4;
	_ =	sdelay $0x1  }
0xaa: {  	(erf) = vrcp.f32 v43;
	_ =	sdelay $0x8  }
0xab: {  	v5 =	vpop (erf)  }
0xac: {  	v4 =	vmul.f32 v5, v4;
	_ =	sdelay $0x1  }
0xad: {  	v5 =	vmul.f32 v4, v4;
	_ =	sdelay $0x1  }
0xae: {  	v44 =	vmul.f32 $1.111111120e-01, v5;
	_ =	sdelay $0x1  }
0xaf: {  	v6 =	vadd.f32 $1.428571490e-01, v44;
	_ =	sdelay $0x1  }
0xb0: {  	v6 =	vmul.f32 v6, v5;
	_ =	sdelay $0x1  }
0xb1: {  	v6 =	vadd.f32 $2.000000030e-01, v6;
	_ =	sdelay $0x1  }
0xb2: {  	v6 =	vmul.f32 v6, v5;
	_ =	sdelay $0x1  }
0xb3: {  	v6 =	vadd.f32 $3.333333430e-01, v6;
	_ =	sdelay $0x1  }
0xb4: {  	v5 =	vmul.f32 v6, v5;
	_ =	sdelay $0x1  }
0xb5: {  	v45 =	vld [tilespmem:s28+$0x0];
	v4 =	vadd.f32 v4, v4;
	v5 =	vadd.f32 $1.000000000e+00, v5;
	_ =	sdelay $0x1  }
0xb6: {  	v4 =	vmul.f32 v5, v4  }
0xb7: {  	v3 =	vmin.f32 v3, $0.0e+00  }
0xb8: {  	v3 =	vsub.f32 v3, v4  }
0xb9: {  	vm12 =	veq.s32 v45, $0x186A0  }
0xba: {  	v3 =	vsel vm12, $0x0, v3  }
0xbb: {  	[tilespmem:v2+s31+$0xFFFFFFD0 ss:$0x1] =	vst.idx.msk $0xffff, v3  }
0xbc: {  	v3 =	vld.idx.msk [tilespmem:v0+s31+$0xFFFFFFE0 ss:$0x1], $0xffff  }
0xbd: {  	v46 =	vld.idx.msk [tilespmem:v1+s31+$0xFFFFFFE0 ss:$0x1], $0xffff;
	_ =	sdelay $0x1  }
0xbe: {  	v47 =	vld [tilespmem:s29+$0x10];
	_ =	sdelay $0x2  }
0xbf: {  	v3 =	vadd.f32 v46, v3;
	_ =	sdelay $0x1  }
0xc0: {  	v3 =	vmul.f32 v3, v47;
	_ =	sdelay $0x1  }
0xc1: {  	v48 =	vand.u32 $0x7FFFFFFF, v3  }
0xc2: {  	v4 =	vsub.f32 $0.0e+00, v48;
	_ =	sdelay $0x1  }
0xc3: {  	v4 =	vmul.f32 $1.442695020e+00, v4;
	_ =	sdelay $0x1  }
0xc4: {  	(erf) = vpow2.f32 v4;
	_ =	sdelay $0x8  }
0xc5: {  	v4 =	vpop (erf)  }
0xc6: {  	v49 =	vadd.f32 $2.000000000e+00, v4;
	_ =	sdelay $0x1  }
0xc7: {  	(erf) = vrcp.f32 v49;
	_ =	sdelay $0x8  }
0xc8: {  	v5 =	vpop (erf)  }
0xc9: {  	v4 =	vmul.f32 v5, v4;
	_ =	sdelay $0x1  }
0xca: {  	v5 =	vmul.f32 v4, v4;
	_ =	sdelay $0x1  }
0xcb: {  	v50 =	vmul.f32 $1.111111120e-01, v5;
	_ =	sdelay $0x1  }
0xcc: {  	v6 =	vadd.f32 $1.428571490e-01, v50;
	_ =	sdelay $0x1  }
0xcd: {  	v6 =	vmul.f32 v6, v5;
	_ =	sdelay $0x1  }
0xce: {  	v6 =	vadd.f32 $2.000000030e-01, v6;
	_ =	sdelay $0x1  }
0xcf: {  	v6 =	vmul.f32 v6, v5;
	_ =	sdelay $0x1  }
0xd0: {  	v6 =	vadd.f32 $3.333333430e-01, v6;
	_ =	sdelay $0x1  }
0xd1: {  	v5 =	vmul.f32 v6, v5;
	_ =	sdelay $0x1  }
0xd2: {  	v51 =	vld [tilespmem:s28+$0x10];
	v4 =	vadd.f32 v4, v4;
	v5 =	vadd.f32 $1.000000000e+00, v5;
	_ =	sdelay $0x1  }
0xd3: {  	v4 =	vmul.f32 v5, v4  }
0xd4: {  	v3 =	vmin.f32 v3, $0.0e+00  }
0xd5: {  	v3 =	vsub.f32 v3, v4  }
0xd6: {  	vm13 =	veq.s32 v51, $0x186A0  }
0xd7: {  	v3 =	vsel vm13, $0x0, v3  }
0xd8: {  	[tilespmem:v2+s31+$0xFFFFFFE0 ss:$0x1] =	vst.idx.msk $0xffff, v3  }
0xd9: {  	v3 =	vld.idx.msk [tilespmem:v0+s31+$0xFFFFFFF0 ss:$0x1], $0xffff  }
0xda: {  	v52 =	vld.idx.msk [tilespmem:v1+s31+$0xFFFFFFF0 ss:$0x1], $0xffff;
	_ =	sdelay $0x1  }
0xdb: {  	v53 =	vld [tilespmem:s29+$0x20];
	_ =	sdelay $0x2  }
0xdc: {  	v3 =	vadd.f32 v52, v3;
	_ =	sdelay $0x1  }
0xdd: {  	v3 =	vmul.f32 v3, v53;
	_ =	sdelay $0x1  }
0xde: {  	v54 =	vand.u32 $0x7FFFFFFF, v3  }
0xdf: {  	v4 =	vsub.f32 $0.0e+00, v54;
	_ =	sdelay $0x1  }
0xe0: {  	v4 =	vmul.f32 $1.442695020e+00, v4;
	_ =	sdelay $0x1  }
0xe1: {  	(erf) = vpow2.f32 v4;
	_ =	sdelay $0x8  }
0xe2: {  	v4 =	vpop (erf)  }
0xe3: {  	v55 =	vadd.f32 $2.000000000e+00, v4;
	_ =	sdelay $0x1  }
0xe4: {  	(erf) = vrcp.f32 v55;
	_ =	sdelay $0x8  }
0xe5: {  	v5 =	vpop (erf)  }
0xe6: {  	v4 =	vmul.f32 v5, v4;
	_ =	sdelay $0x1  }
0xe7: {  	v5 =	vmul.f32 v4, v4;
	_ =	sdelay $0x1  }
0xe8: {  	v56 =	vmul.f32 $1.111111120e-01, v5;
	_ =	sdelay $0x1  }
0xe9: {  	v6 =	vadd.f32 $1.428571490e-01, v56;
	_ =	sdelay $0x1  }
0xea: {  	v6 =	vmul.f32 v6, v5;
	_ =	sdelay $0x1  }
0xeb: {  	v6 =	vadd.f32 $2.000000030e-01, v6;
	_ =	sdelay $0x1  }
0xec: {  	v6 =	vmul.f32 v6, v5;
	_ =	sdelay $0x1  }
0xed: {  	v6 =	vadd.f32 $3.333333430e-01, v6;
	_ =	sdelay $0x1  }
0xee: {  	v5 =	vmul.f32 v6, v5;
	_ =	sdelay $0x1  }
0xef: {  	v57 =	vld [tilespmem:s28+$0x20];
	v4 =	vadd.f32 v4, v4;
	v5 =	vadd.f32 $1.000000000e+00, v5;
	_ =	sdelay $0x1  }
0xf0: {  	v4 =	vmul.f32 v5, v4  }
0xf1: {  	v3 =	vmin.f32 v3, $0.0e+00  }
0xf2: {  	v3 =	vsub.f32 v3, v4  }
0xf3: {  	vm14 =	veq.s32 v57, $0x186A0  }
0xf4: {  	v3 =	vsel vm14, $0x0, v3  }
0xf5: {  	[tilespmem:v2+s31+$0xFFFFFFF0 ss:$0x1] =	vst.idx.msk $0xffff, v3  }
0xf6: {  	v3 =	vld.idx.msk [tilespmem:v0+s31+$0x0 ss:$0x1], $0xffff  }
0xf7: {  	v58 =	vld.idx.msk [tilespmem:v1+s31+$0x0 ss:$0x1], $0xffff;
	_ =	sdelay $0x1  }
0xf8: {  	v59 =	vld [tilespmem:s29+$0x30];
	_ =	sdelay $0x2  }
0xf9: {  	v3 =	vadd.f32 v58, v3;
	_ =	sdelay $0x1  }
0xfa: {  	v3 =	vmul.f32 v3, v59;
	_ =	sdelay $0x1  }
0xfb: {  	v60 =	vand.u32 $0x7FFFFFFF, v3  }
0xfc: {  	v4 =	vsub.f32 $0.0e+00, v60;
	_ =	sdelay $0x1  }
0xfd: {  	v4 =	vmul.f32 $1.442695020e+00, v4;
	_ =	sdelay $0x1  }
0xfe: {  	(erf) = vpow2.f32 v4;
	_ =	sdelay $0x8  }
0xff: {  	v4 =	vpop (erf)  }
0x100: {  	v61 =	vadd.f32 $2.000000000e+00, v4;
	_ =	sdelay $0x1  }
0x101: {  	(erf) = vrcp.f32 v61;
	_ =	sdelay $0x8  }
0x102: {  	v5 =	vpop (erf)  }
0x103: {  	v4 =	vmul.f32 v5, v4;
	_ =	sdelay $0x1  }
0x104: {  	v5 =	vmul.f32 v4, v4;
	_ =	sdelay $0x1  }
0x105: {  	v62 =	vmul.f32 $1.111111120e-01, v5;
	_ =	sdelay $0x1  }
0x106: {  	v6 =	vadd.f32 $1.428571490e-01, v62;
	_ =	sdelay $0x1  }
0x107: {  	v6 =	vmul.f32 v6, v5;
	_ =	sdelay $0x1  }
0x108: {  	v6 =	vadd.f32 $2.000000030e-01, v6;
	_ =	sdelay $0x1  }
0x109: {  	v6 =	vmul.f32 v6, v5;
	_ =	sdelay $0x1  }
0x10a: {  	v6 =	vadd.f32 $3.333333430e-01, v6;
	_ =	sdelay $0x1  }
0x10b: {  	v5 =	vmul.f32 v6, v5;
	_ =	sdelay $0x1  }
0x10c: {  	v63 =	vld [tilespmem:s28+$0x30];
	v4 =	vadd.f32 v4, v4;
	v5 =	vadd.f32 $1.000000000e+00, v5;
	_ =	sdelay $0x1  }
0x10d: {  	p0 =	sne.s32 s30, $0x600;
	v4 =	vmul.f32 v5, v4  }
.Ltmp0:
0x10e: {  	v3 =	vmin.f32 v3, $0.0e+00;
	(pc) =	sbr.rel @p0 .LBB2_3-.Ltmp0, $4  }
0x10f: {  	v3 =	vsub.f32 v3, v4  }
0x110: {  	vm15 =	veq.s32 v63, $0x186A0  }
0x111: {  	v3 =	vsel vm15, $0x0, v3  }
0x112: {  	s30 =	sadd.s32 $0x200, s30;
	s28 =	sadd.s32 $0x400, s28;
	s29 =	sadd.s32 $0x400, s29;
	[tilespmem:v2+s31+$0x0 ss:$0x1] =	vst.idx.msk $0xffff, v3  }
0x113: {  	s26 =	sadd.s32 $0x1, s26  }
0x114: {  	p0 =	sne.s32 s26, $0x14  }
.Ltmp1:
0x115: {  	_ = 	snop;
	(pc) =	sbr.rel @p0 .LBB2_2-.Ltmp1, $3  }
0x116: {  	_ =	sdelay $0x1  }
0x117: {  	s21 =	sadd.s32 $0x200, s21;
	s22 =	sadd.s32 $0x200, s22  }
0x118: {  	s23 =	sadd.s32 $0x200, s23;
	s25 =	sadd.s32 $0x200, s25;
	s24 =	sadd.s32 $0x1, s24  }
0x119: {  	s21 =	simm.s32 $0x0;
	s22 =	simm.s32 $0xD800  }
0x11a: {  	s21 =	sand.u32 $0x1F0, s21;
	v1 =	vld [tilespmem:s22+$0x0]  }
0x11b: {  	v0 =	vld [tilespmem:s21+$0xDA00];
	_ =	sdelay $0x1  }
0x11c: {  	v2 =	vld [tilespmem:s21+$0xDC00];
	_ =	sdelay $0x1  }
0x11d: {  	v3 =	vld [tilespmem:s21+$0xDE00]  }
0x11e: {  	v0 =	vadd.f32 v0, v1  }
0x11f: {  	v1 =	vld [tilespmem:s21+$0xE000]  }
0x120: {  	v0 =	vadd.f32 v2, v0  }
0x121: {  	v2 =	vld [tilespmem:s21+$0xE200]  }
0x122: {  	v0 =	vadd.f32 v3, v0  }
0x123: {  	v3 =	vld [tilespmem:s21+$0xE400]  }
0x124: {  	v0 =	vadd.f32 v1, v0  }
0x125: {  	v1 =	vld [tilespmem:s21+$0xE600]  }
0x126: {  	v0 =	vadd.f32 v2, v0  }
0x127: {  	v2 =	vld [tilespmem:s21+$0xE800]  }
0x128: {  	v0 =	vadd.f32 v3, v0  }
0x129: {  	v3 =	vld [tilespmem:s21+$0xEA00]  }
0x12a: {  	v0 =	vadd.f32 v1, v0  }
0x12b: {  	v1 =	vld [tilespmem:s21+$0xEC00]  }
0x12c: {  	v0 =	vadd.f32 v2, v0  }
0x12d: {  	v2 =	vld [tilespmem:s21+$0xEE00]  }
0x12e: {  	v0 =	vadd.f32 v3, v0  }
0x12f: {  	v3 =	vld [tilespmem:s21+$0xF000]  }
0x130: {  	v0 =	vadd.f32 v1, v0  }
0x131: {  	v1 =	vld [tilespmem:s21+$0xF200]  }
0x132: {  	v0 =	vadd.f32 v2, v0  }
0x133: {  	v2 =	vld [tilespmem:s21+$0xF400]  }
0x134: {  	v0 =	vadd.f32 v3, v0  }
0x135: {  	v3 =	vld [tilespmem:s21+$0xF600]  }
0x136: {  	v0 =	vadd.f32 v1, v0  }
0x137: {  	v1 =	vld [tilespmem:s21+$0xF800]  }
0x138: {  	v0 =	vadd.f32 v2, v0  }
0x139: {  	v2 =	vld [tilespmem:s21+$0xFA00]  }
0x13a: {  	v0 =	vadd.f32 v3, v0  }
0x13b: {  	v3 =	vld [tilespmem:s21+$0xFC00]  }
0x13c: {  	v0 =	vadd.f32 v1, v0  }
0x13d: {  	v1 =	vld [tilespmem:s21+$0xFE00]  }
0x13e: {  	v0 =	vadd.f32 v2, v0;
	_ =	sdelay $0x1  }
0x13f: {  	v0 =	vadd.f32 v3, v0;
	_ =	sdelay $0x1  }
0x140: {  	v0 =	vadd.f32 v1, v0  }
0x141: {  	s31 =	simm.s32 $0x10;
	s21 =	simm.s32 $0x10000  }
0x142: {  	s22 =	sand.u32 $0x1F0, s31;
	[tilespmem:s21+$0x0] =	vst v0  }
0x143: {  	s24 =	simm.s32 $0x20;
	s23 =	simm.s32 $0xD810;
	v0 =	vld [tilespmem:s22+$0xDA00]  }
.LBB2_6:
0x144: {  	p0 =	sne.s32 s24, $0x1F0;
	v1 =	vld [tilespmem:s23+$0x0];
	_ =	sdelay $0x1  }
0x145: {  	v2 =	vld [tilespmem:s22+$0xDC00];
	_ =	sdelay $0x1  }
0x146: {  	v3 =	vld [tilespmem:s22+$0xDE00]  }
0x147: {  	v0 =	vadd.f32 v0, v1  }
0x148: {  	v1 =	vld [tilespmem:s22+$0xE000]  }
0x149: {  	v0 =	vadd.f32 v2, v0  }
0x14a: {  	v2 =	vld [tilespmem:s22+$0xE200]  }
0x14b: {  	v0 =	vadd.f32 v3, v0  }
0x14c: {  	v3 =	vld [tilespmem:s22+$0xE400]  }
0x14d: {  	v0 =	vadd.f32 v1, v0  }
0x14e: {  	v1 =	vld [tilespmem:s22+$0xE600]  }
0x14f: {  	v0 =	vadd.f32 v2, v0  }
0x150: {  	v2 =	vld [tilespmem:s22+$0xE800]  }
0x151: {  	v0 =	vadd.f32 v3, v0  }
0x152: {  	v3 =	vld [tilespmem:s22+$0xEA00]  }
0x153: {  	v0 =	vadd.f32 v1, v0  }
0x154: {  	v1 =	vld [tilespmem:s22+$0xEC00]  }
0x155: {  	v0 =	vadd.f32 v2, v0  }
0x156: {  	v2 =	vld [tilespmem:s22+$0xEE00]  }
0x157: {  	v0 =	vadd.f32 v3, v0  }
0x158: {  	v3 =	vld [tilespmem:s22+$0xF000]  }
0x159: {  	v0 =	vadd.f32 v1, v0  }
0x15a: {  	v1 =	vld [tilespmem:s22+$0xF200]  }
0x15b: {  	v0 =	vadd.f32 v2, v0  }
0x15c: {  	v2 =	vld [tilespmem:s22+$0xF400]  }
0x15d: {  	v0 =	vadd.f32 v3, v0  }
0x15e: {  	v3 =	vld [tilespmem:s22+$0xF600]  }
0x15f: {  	v0 =	vadd.f32 v1, v0  }
0x160: {  	v1 =	vld [tilespmem:s22+$0xF800]  }
0x161: {  	v0 =	vadd.f32 v2, v0  }
0x162: {  	v2 =	vld [tilespmem:s22+$0xFA00]  }
0x163: {  	v0 =	vadd.f32 v3, v0  }
0x164: {  	v3 =	vld [tilespmem:s22+$0xFC00]  }
0x165: {  	v0 =	vadd.f32 v1, v0  }
0x166: {  	v1 =	vld [tilespmem:s22+$0xFE00]  }
0x167: {  	v0 =	vadd.f32 v2, v0;
	_ =	sdelay $0x1  }
0x168: {  	v0 =	vadd.f32 v3, v0  }
.Ltmp2:
0x169: {  	(pc) =	sbr.rel @p0 .LBB2_6-.Ltmp2, $4  }
0x16a: {  	v0 =	vadd.f32 v1, v0  }
0x16b: {  	s21 =	sadd.s32 $0x10, s21  }
0x16c: {  	s22 =	sand.u32 $0x1F0, s24;
	[tilespmem:s21+$0x0] =	vst v0  }
0x16d: {  	s23 =	sadd.s32 $0x10, s23;
	s24 =	sadd.s32 $0x10, s24;
	v0 =	vld [tilespmem:s22+$0xDA00]  }
0x16e: {  	v1 =	vld [tilespmem:s23+$0x0];
	_ =	sdelay $0x1  }
0x16f: {  	v2 =	vld [tilespmem:s22+$0xDC00];
	_ =	sdelay $0x1  }
0x170: {  	v3 =	vld [tilespmem:s22+$0xDE00]  }
0x171: {  	v0 =	vadd.f32 v0, v1  }
0x172: {  	v48 =	vld [tilespmem:s22+$0xE000]  }
0x173: {  	v0 =	vadd.f32 v2, v0  }
0x174: {  	v49 =	vld [tilespmem:s22+$0xE200]  }
0x175: {  	v0 =	vadd.f32 v3, v0  }
0x176: {  	v50 =	vld [tilespmem:s22+$0xE400]  }
0x177: {  	v0 =	vadd.f32 v48, v0  }
0x178: {  	v51 =	vld [tilespmem:s22+$0xE600]  }
0x179: {  	v0 =	vadd.f32 v49, v0  }
0x17a: {  	v52 =	vld [tilespmem:s22+$0xE800]  }
0x17b: {  	v0 =	vadd.f32 v50, v0  }
0x17c: {  	v53 =	vld [tilespmem:s22+$0xEA00]  }
0x17d: {  	v0 =	vadd.f32 v51, v0  }
0x17e: {  	v54 =	vld [tilespmem:s22+$0xEC00]  }
0x17f: {  	v0 =	vadd.f32 v52, v0  }
0x180: {  	v55 =	vld [tilespmem:s22+$0xEE00]  }
0x181: {  	v0 =	vadd.f32 v53, v0  }
0x182: {  	v56 =	vld [tilespmem:s22+$0xF000]  }
0x183: {  	v0 =	vadd.f32 v54, v0  }
0x184: {  	v57 =	vld [tilespmem:s22+$0xF200]  }
0x185: {  	v0 =	vadd.f32 v55, v0  }
0x186: {  	v58 =	vld [tilespmem:s22+$0xF400]  }
0x187: {  	v0 =	vadd.f32 v56, v0  }
0x188: {  	v59 =	vld [tilespmem:s22+$0xF600]  }
0x189: {  	v0 =	vadd.f32 v57, v0  }
0x18a: {  	v60 =	vld [tilespmem:s22+$0xF800]  }
0x18b: {  	v0 =	vadd.f32 v58, v0  }
0x18c: {  	v61 =	vld [tilespmem:s22+$0xFA00]  }
0x18d: {  	v0 =	vadd.f32 v59, v0  }
0x18e: {  	v62 =	vld [tilespmem:s22+$0xFC00]  }
0x18f: {  	v0 =	vadd.f32 v60, v0  }
0x190: {  	v63 =	vld [tilespmem:s22+$0xFE00]  }
0x191: {  	v0 =	vadd.f32 v61, v0;
	_ =	sdelay $0x1  }
0x192: {  	v0 =	vadd.f32 v62, v0;
	_ =	sdelay $0x1  }
0x193: {  	s20 =	sadd.s32 $0x1, s20;
	v0 =	vadd.f32 v63, v0  }
0x194: {  	s21 =	sadd.s32 $0x10, s21;
	p0 =	sne.s32 s20, s9  }
.Ltmp3:
0x195: {  	[tilespmem:s21+$0x0] =	vst v0;
	(pc) =	sbr.rel @p0 .LBB2_1-.Ltmp3, $4  }
0x196: {  	[hbm4b:s8+s3] =	stream.linear.scatter [tilespmem:s19], [sflag:$0x2], $0x200, $0x38;
	[tilespmem:$0x10200] =	vst v63  }
0x197: {  	_ =	swait.ge [sflag:s11], $0x200  }
0x198: {  	[sflag:s11] =	ssyncset.done $0x0  }
0x199: {  	[sflag:s11] =	ssyncadd.s32 $0xFFFFFE00  }
0x19a: {  	_ =	sfence.sel $0x180000  }
0x19b: {  	[bflag:$0x0] =	sbarrier.arrive $0xFFFF  }
0x19c: {  	p0 =	sne.s32 s0, $0x0;
	_ =	strace $0x9000004A  }
0x19d: {  	s0 =	sadd.s32 @!p0 $0x100000, s2;
	[bflag:$0x2] =	sbarrier.arrive $0xFFFF  }
0x19e: {  	[sflag:s0] =	ssyncadd.tile.s32 @!p0 $0x1;
	_ =	shalt  }
.Lfunc_end2:
_tile_overlayer_lowered:
.L_overlay_start_2:
0x19f: {  	(tag) =	ssettag $0x2  }
0x1a0: {  	s0 =	rddreg [dreg:$0x0];
	s2 =	stileid.u32  }
0x1a1: {  	s1 =	rddreg [dreg:$0x1];
	p0 =	sne.s32 s2, $0x0  }
0x1a2: {  	s3 =	rddreg [dreg:$0x2];
	[bflag:$0x3] =	sbarrier.arrive $0xFFFF;
	s2 =	simm.s32 @!p0 $0x1C02  }
0x1a3: {  	[timem:s3], [sflag:s2] =	dma.local @!p0 [hbm:s0], s1  }
0x1a4: {  	s0 =	simm.s32 @!p0 $0x2  }
0x1a5: {  	_ =	swait.ge @!p0 [sflag:s0], s1  }
0x1a6: {  	s1 =	ssub.s32 @!p0 $0x0, s1;
	[sflag:s0] =	ssyncset.done @!p0 $0x0  }
0x1a7: {  	[sflag:s0] =	ssyncadd.s32 @!p0 s1  }
0x1a8: {  	[bflag:$0x3] =	sbarrier.arrive $0xFFFF  }
0x1a9: {  	_ =	shalt  }

</sc_bundles>
